<compile_context>
chip_gen: v7x
topology: tpu7x:2x2x1
jax: 0.10.2.dev20260603
libtpu: 0.0.44.dev20260713+nightly
codegen_flags: <defaults>
</compile_context>

<pallas_src>
import functools

import jax
import jax.numpy as jnp
from jax import lax
from jax.experimental import pallas as pl
from jax.experimental.pallas import tpu as pltpu
from jax.experimental.pallas import tpu_sc as plsc

_B = 8
_HW = 224 * 224
_C = 96
_L = 16
_NGROUPS = _C // _L
_NUNITS = _B * _NGROUPS
_NTILES = 32
_CHUNK = 1792
_NCHUNKS = _HW // _CHUNK
_UNROLL = 8


def _topk_body(x_hbm, out_hbm, buf0, buf1, res, sem0, sem1):
    cid = lax.axis_index("c")
    sid = lax.axis_index("s")
    wid = sid * 2 + cid

    def process_unit(u):
        b = u // _NGROUPS
        g = u % _NGROUPS
        row0 = b * _HW
        col0 = g * _L

        def start_dma(ci, buf, sem):
            return pltpu.async_copy(
                x_hbm.at[pl.ds(row0 + ci * _CHUNK, _CHUNK), pl.ds(col0, _L)],
                buf, sem)

        def merge_rows(buf, ms):
            def row_body(ri, ms):
                m0, m1, m2, m3, m4 = ms
                base = ri * _UNROLL
                for k in range(_UNROLL):
                    v = buf[base + k, :]
                    hi = jnp.maximum(m0, v); v = jnp.minimum(m0, v); m0 = hi
                    hi = jnp.maximum(m1, v); v = jnp.minimum(m1, v); m1 = hi
                    hi = jnp.maximum(m2, v); v = jnp.minimum(m2, v); m2 = hi
                    hi = jnp.maximum(m3, v); v = jnp.minimum(m3, v); m3 = hi
                    m4 = jnp.maximum(m4, v)
                return (m0, m1, m2, m3, m4)
            return lax.fori_loop(0, _CHUNK // _UNROLL, row_body, ms)

        start_dma(0, buf0, sem0)
        start_dma(1, buf1, sem1)

        def wait_dma(buf, sem):
            pltpu.make_async_copy(
                x_hbm.at[pl.ds(row0, _CHUNK), pl.ds(col0, _L)], buf, sem
            ).wait()

        def pair_body(j, ms):
            wait_dma(buf0, sem0)
            ms = merge_rows(buf0, ms)

            @pl.when(j < _NCHUNKS // 2 - 1)
            def _():
                start_dma(2 * j + 2, buf0, sem0)

            wait_dma(buf1, sem1)
            ms = merge_rows(buf1, ms)

            @pl.when(j < _NCHUNKS // 2 - 1)
            def _():
                start_dma(2 * j + 3, buf1, sem1)

            return ms

        neg = jnp.full((_L,), -jnp.inf, jnp.float32)
        ms = lax.fori_loop(0, _NCHUNKS // 2, pair_body,
                           (neg, neg, neg, neg, neg))
        res[...] = (ms[0] + ms[1] + ms[2] + ms[3] + ms[4]) * jnp.float32(0.2)
        pltpu.sync_copy(res, out_hbm.at[b, pl.ds(col0, _L)])

    process_unit(wid)

    @pl.when(wid < _NUNITS - _NTILES)
    def _():
        process_unit(wid + _NTILES)


@jax.jit
def _run(x2d):
    mesh = plsc.VectorSubcoreMesh(core_axis_name="c", subcore_axis_name="s")
    f = functools.partial(
        pl.kernel,
        mesh=mesh,
        out_type=jax.ShapeDtypeStruct((_B, _C), jnp.float32),
        scratch_types=[
            pltpu.VMEM((_CHUNK, _L), jnp.float32),
            pltpu.VMEM((_CHUNK, _L), jnp.float32),
            pltpu.VMEM((_L,), jnp.float32),
            pltpu.SemaphoreType.DMA,
            pltpu.SemaphoreType.DMA,
        ],
        compiler_params=pltpu.CompilerParams(use_tc_tiling_on_sc=False),
    )(_topk_body)
    return f(x2d)


def kernel(x):
    return _run(jnp.reshape(x, (_B * _HW, _C)))

# --- scband reference (transcript-rebuilt; emitter-appended) ---
"""Pipeline reference for scband-global-kmax-avg-pooling2-d-70609262346885 (READ-ONLY COPY).

The authoritative reference and input builder live on the scoring server;
editing this copy changes nothing except your own understanding.
"""

import jax, jax.numpy as jnp
import numpy as np

KMAX = 5

def setup_inputs(seed: int = 0) -> dict:
    key = jax.random.key(seed)
    x = jax.random.normal(key, (8, 224, 224, 96), dtype=jnp.float32)
    return {"x": x}

def reference(x) -> jnp.ndarray:
    # reshape [B, H, W, C] -> [B, H*W, C]
    B = x.shape[0]
    C = x.shape[-1]
    x = jnp.reshape(x, (B, -1, C))
    # matrix_transpose: [B, H*W, C] -> [B, C, H*W]
    x = jnp.swapaxes(x, -1, -2)
    # top-k over last axis (k=KMAX, unsorted is fine since we only take the mean)
    x_kmax, _ = jax.lax.top_k(x, KMAX)
    # mean over the k selected values -> [B, C]
    return jnp.mean(x_kmax, axis=-1)

if __name__ == "__main__":
    import jax
    _d = setup_inputs()
    print(jax.jit(kernel)(*tuple(_d.values())))

</pallas_src>

<mosaic_0001>
#map = affine_map<(d0, d1) -> (0, 0)>
module attributes {stable_mosaic.version = 14 : i64} {
  func.func @_topk_body(%arg0: i32, %arg1: i32, %arg2: memref<401408x96xf32, #tpu.memory_space<hbm>>, %arg3: memref<8x96xf32, #tpu.memory_space<hbm>>, %arg4: memref<1792x16xf32, #tpu.memory_space<vmem>>, %arg5: memref<1792x16xf32, #tpu.memory_space<vmem>>, %arg6: memref<16xf32, #tpu.memory_space<vmem>>, %arg7: memref<!tpu.dma_semaphore, #tpu.memory_space<semaphore_mem>>, %arg8: memref<!tpu.dma_semaphore, #tpu.memory_space<semaphore_mem>>) attributes {dimension_semantics = [#tpu.dimension_semantics<core_parallel>, #tpu.dimension_semantics<subcore_parallel>], iteration_bounds = array<i64: 2, 16>, scalar_prefetch = 0 : i64, scratch_operands = 5 : i64, tpu.core_type = #tpu.core_type<sc_vector_subcore>, window_params = [{transform_indices = #map}, {transform_indices = #map}]} {
    %mul3A = arith.constant 2 : i32
    %mul3A_0 = arith.muli %arg1, %mul3A : i32
    %add3A = arith.addi %mul3A_0, %arg0 : i32
    %jit3A = arith.constant 6 : i32
    %div3A = arith.divsi %add3A, %jit3A : i32
    %sign3A = arith.constant 0 : i32
    %sign3A_1 = arith.cmpi sgt, %add3A, %sign3A : i32
    %sign3A_2 = arith.extui %sign3A_1 : i1 to i32
    %sign3A_3 = arith.constant 0 : i32
    %sign3A_4 = arith.cmpi slt, %add3A, %sign3A_3 : i32
    %sign3A_5 = arith.extui %sign3A_4 : i1 to i32
    %sign3A_6 = arith.subi %sign3A_2, %sign3A_5 : i32
    %sign3A_7 = arith.constant 0 : i32
    %sign3A_8 = arith.cmpi sgt, %jit3A, %sign3A_7 : i32
    %sign3A_9 = arith.extui %sign3A_8 : i1 to i32
    %sign3A_10 = arith.constant 0 : i32
    %sign3A_11 = arith.cmpi slt, %jit3A, %sign3A_10 : i32
    %sign3A_12 = arith.extui %sign3A_11 : i1 to i32
    %sign3A_13 = arith.subi %sign3A_9, %sign3A_12 : i32
    %ne3A = arith.cmpi ne, %sign3A_6, %sign3A_13 : i32
    %rem3A = arith.remsi %add3A, %jit3A : i32
    %ne3A_14 = arith.constant 0 : i32
    %ne3A_15 = arith.cmpi ne, %rem3A, %ne3A_14 : i32
    %and3A = arith.andi %ne3A, %ne3A_15 : i1
    %sub3A = arith.constant 1 : i32
    %sub3A_16 = arith.subi %div3A, %sub3A : i32
    %select_n3A = arith.select %and3A, %sub3A_16, %div3A : i32
    %jit3A_17 = arith.constant 6 : i32
    %eq3A = arith.constant 0 : i32
    %eq3A_18 = arith.cmpi eq, %jit3A_17, %eq3A : i32
    %jit3A_19 = arith.constant 1 : i32
    %select_n3A_20 = arith.select %eq3A_18, %jit3A_19, %jit3A_17 : i32
    %rem3A_21 = arith.remsi %add3A, %select_n3A_20 : i32
    %ne3A_22 = arith.constant 0 : i32
    %ne3A_23 = arith.cmpi ne, %rem3A_21, %ne3A_22 : i32
    %lt3A = arith.constant 0 : i32
    %lt3A_24 = arith.cmpi slt, %rem3A_21, %lt3A : i32
    %lt3A_25 = arith.constant 0 : i32
    %lt3A_26 = arith.cmpi slt, %select_n3A_20, %lt3A_25 : i32
    %ne3A_27 = arith.xori %lt3A_24, %lt3A_26 : i1
    %and3A_28 = arith.andi %ne3A_27, %ne3A_23 : i1
    %add3A_29 = arith.addi %rem3A_21, %select_n3A_20 : i32
    %select_n3A_30 = arith.select %and3A_28, %add3A_29, %rem3A_21 : i32
    %mul3A_31 = arith.constant 50176 : i32
    %mul3A_32 = arith.muli %select_n3A, %mul3A_31 : i32
    %mul3A_33 = arith.constant 16 : i32
    %mul3A_34 = arith.muli %select_n3A_30, %mul3A_33 : i32
    %add3A_35 = arith.constant 0 : i32
    %add3A_36 = arith.addi %mul3A_32, %add3A_35 : i32
    %dma_start3A = tpu.memref_slice %arg2[%add3A_36, %mul3A_34] : memref<401408x96xf32, #tpu.memory_space<hbm>> -> memref<1792x16xf32, #tpu.memory_space<hbm>>
    %dma_start3A_37 = tpu.memref_slice %arg2[%add3A_36, %mul3A_34] : memref<401408x96xf32, #tpu.memory_space<hbm>> -> memref<1792x16xf32, #tpu.memory_space<hbm>>
    tpu.enqueue_dma source(%dma_start3A_37 : memref<1792x16xf32, #tpu.memory_space<hbm>>) target(%arg4 : memref<1792x16xf32, #tpu.memory_space<vmem>>) target_semaphore(%arg7 : memref<!tpu.dma_semaphore, #tpu.memory_space<semaphore_mem>>)
    %add3A_38 = arith.constant 1792 : i32
    %add3A_39 = arith.addi %mul3A_32, %add3A_38 : i32
    %dma_start3A_40 = tpu.memref_slice %arg2[%add3A_39, %mul3A_34] : memref<401408x96xf32, #tpu.memory_space<hbm>> -> memref<1792x16xf32, #tpu.memory_space<hbm>>
    %dma_start3A_41 = tpu.memref_slice %arg2[%add3A_39, %mul3A_34] : memref<401408x96xf32, #tpu.memory_space<hbm>> -> memref<1792x16xf32, #tpu.memory_space<hbm>>
    tpu.enqueue_dma source(%dma_start3A_41 : memref<1792x16xf32, #tpu.memory_space<hbm>>) target(%arg5 : memref<1792x16xf32, #tpu.memory_space<vmem>>) target_semaphore(%arg8 : memref<!tpu.dma_semaphore, #tpu.memory_space<semaphore_mem>>)
    %broadcast_in_dim3A = arith.constant 0xFF800000 : f32
    %broadcast_in_dim3A_42 = vector.broadcast %broadcast_in_dim3A : f32 to vector<16xf32>
    %scan3A = arith.constant 0 : i32
    %scan3A_43 = arith.constant 14 : i32
    %scan3A_44 = arith.addi %scan3A, %scan3A_43 : i32
    %scan3A_45 = arith.constant 1 : i32
    %scan3A_46:5 = scf.for %scan3A_61 = %scan3A to %scan3A_44 step %scan3A_45 iter_args(%scan3A_62 = %broadcast_in_dim3A_42, %scan3A_63 = %broadcast_in_dim3A_42, %scan3A_64 = %broadcast_in_dim3A_42, %scan3A_65 = %broadcast_in_dim3A_42, %scan3A_66 = %broadcast_in_dim3A_42) -> (vector<16xf32>, vector<16xf32>, vector<16xf32>, vector<16xf32>, vector<16xf32>)  : i32 {
      %dma_wait3A = tpu.memref_slice %arg2[%mul3A_32, %mul3A_34] : memref<401408x96xf32, #tpu.memory_space<hbm>> -> memref<1792x16xf32, #tpu.memory_space<hbm>>
      %dma_wait3A_67 = tpu.memref_slice %arg2[%mul3A_32, %mul3A_34] : memref<401408x96xf32, #tpu.memory_space<hbm>> -> memref<1792x16xf32, #tpu.memory_space<hbm>>
      tpu.wait_dma2 semaphore(%arg7 : memref<!tpu.dma_semaphore, #tpu.memory_space<semaphore_mem>>) src(%dma_wait3A_67 : memref<1792x16xf32, #tpu.memory_space<hbm>>) dst(%arg4 : memref<1792x16xf32, #tpu.memory_space<vmem>>)
      %scan3A_68 = arith.constant 0 : i32
      %scan3A_69 = arith.constant 224 : i32
      %scan3A_70 = arith.addi %scan3A_68, %scan3A_69 : i32
      %scan3A_71 = arith.constant 1 : i32
      %scan3A_72:5 = scf.for %scan3A_92 = %scan3A_68 to %scan3A_70 step %scan3A_71 iter_args(%scan3A_93 = %scan3A_62, %scan3A_94 = %scan3A_63, %scan3A_95 = %scan3A_64, %scan3A_96 = %scan3A_65, %scan3A_97 = %scan3A_66) -> (vector<16xf32>, vector<16xf32>, vector<16xf32>, vector<16xf32>, vector<16xf32>)  : i32 {
        %mul3A_98 = arith.constant 8 : i32
        %mul3A_99 = arith.muli %scan3A_92, %mul3A_98 : i32
        %add3A_100 = arith.constant 0 : i32
        %add3A_101 = arith.addi %mul3A_99, %add3A_100 : i32
        %get3A = arith.index_cast %add3A_101 : i32 to index
        %get3A_102 = arith.constant 0 : index
        %get3A_103 = tpu.vector_load %arg4[%get3A, %get3A_102] {strides = array<i32>} : memref<1792x16xf32, #tpu.memory_space<vmem>>, vector<1x16xf32>,
        %get3A_104 = vector.shape_cast %get3A_103 : vector<1x16xf32> to vector<16xf32>
        %max3A = arith.maximumf %scan3A_93, %get3A_104 : vector<16xf32>
        %min3A = arith.minimumf %scan3A_93, %get3A_104 : vector<16xf32>
        %max3A_105 = arith.maximumf %scan3A_94, %min3A : vector<16xf32>
        %min3A_106 = arith.minimumf %scan3A_94, %min3A : vector<16xf32>
        %max3A_107 = arith.maximumf %scan3A_95, %min3A_106 : vector<16xf32>
        %min3A_108 = arith.minimumf %scan3A_95, %min3A_106 : vector<16xf32>
        %max3A_109 = arith.maximumf %scan3A_96, %min3A_108 : vector<16xf32>
        %min3A_110 = arith.minimumf %scan3A_96, %min3A_108 : vector<16xf32>
        %max3A_111 = arith.maximumf %scan3A_97, %min3A_110 : vector<16xf32>
        %add3A_112 = arith.constant 1 : i32
        %add3A_113 = arith.addi %mul3A_99, %add3A_112 : i32
        %get3A_114 = arith.index_cast %add3A_113 : i32 to index
        %get3A_115 = arith.constant 0 : index
        %get3A_116 = tpu.vector_load %arg4[%get3A_114, %get3A_115] {strides = array<i32>} : memref<1792x16xf32, #tpu.memory_space<vmem>>, vector<1x16xf32>,
        %get3A_117 = vector.shape_cast %get3A_116 : vector<1x16xf32> to vector<16xf32>
        %max3A_118 = arith.maximumf %max3A, %get3A_117 : vector<16xf32>
        %min3A_119 = arith.minimumf %max3A, %get3A_117 : vector<16xf32>
        %max3A_120 = arith.maximumf %max3A_105, %min3A_119 : vector<16xf32>
        %min3A_121 = arith.minimumf %max3A_105, %min3A_119 : vector<16xf32>
        %max3A_122 = arith.maximumf %max3A_107, %min3A_121 : vector<16xf32>
        %min3A_123 = arith.minimumf %max3A_107, %min3A_121 : vector<16xf32>
        %max3A_124 = arith.maximumf %max3A_109, %min3A_123 : vector<16xf32>
        %min3A_125 = arith.minimumf %max3A_109, %min3A_123 : vector<16xf32>
        %max3A_126 = arith.maximumf %max3A_111, %min3A_125 : vector<16xf32>
        %add3A_127 = arith.constant 2 : i32
        %add3A_128 = arith.addi %mul3A_99, %add3A_127 : i32
        %get3A_129 = arith.index_cast %add3A_128 : i32 to index
        %get3A_130 = arith.constant 0 : index
        %get3A_131 = tpu.vector_load %arg4[%get3A_129, %get3A_130] {strides = array<i32>} : memref<1792x16xf32, #tpu.memory_space<vmem>>, vector<1x16xf32>,
        %get3A_132 = vector.shape_cast %get3A_131 : vector<1x16xf32> to vector<16xf32>
        %max3A_133 = arith.maximumf %max3A_118, %get3A_132 : vector<16xf32>
        %min3A_134 = arith.minimumf %max3A_118, %get3A_132 : vector<16xf32>
        %max3A_135 = arith.maximumf %max3A_120, %min3A_134 : vector<16xf32>
        %min3A_136 = arith.minimumf %max3A_120, %min3A_134 : vector<16xf32>
        %max3A_137 = arith.maximumf %max3A_122, %min3A_136 : vector<16xf32>
        %min3A_138 = arith.minimumf %max3A_122, %min3A_136 : vector<16xf32>
        %max3A_139 = arith.maximumf %max3A_124, %min3A_138 : vector<16xf32>
        %min3A_140 = arith.minimumf %max3A_124, %min3A_138 : vector<16xf32>
        %max3A_141 = arith.maximumf %max3A_126, %min3A_140 : vector<16xf32>
        %add3A_142 = arith.constant 3 : i32
        %add3A_143 = arith.addi %mul3A_99, %add3A_142 : i32
        %get3A_144 = arith.index_cast %add3A_143 : i32 to index
        %get3A_145 = arith.constant 0 : index
        %get3A_146 = tpu.vector_load %arg4[%get3A_144, %get3A_145] {strides = array<i32>} : memref<1792x16xf32, #tpu.memory_space<vmem>>, vector<1x16xf32>,
        %get3A_147 = vector.shape_cast %get3A_146 : vector<1x16xf32> to vector<16xf32>
        %max3A_148 = arith.maximumf %max3A_133, %get3A_147 : vector<16xf32>
        %min3A_149 = arith.minimumf %max3A_133, %get3A_147 : vector<16xf32>
        %max3A_150 = arith.maximumf %max3A_135, %min3A_149 : vector<16xf32>
        %min3A_151 = arith.minimumf %max3A_135, %min3A_149 : vector<16xf32>
        %max3A_152 = arith.maximumf %max3A_137, %min3A_151 : vector<16xf32>
        %min3A_153 = arith.minimumf %max3A_137, %min3A_151 : vector<16xf32>
        %max3A_154 = arith.maximumf %max3A_139, %min3A_153 : vector<16xf32>
        %min3A_155 = arith.minimumf %max3A_139, %min3A_153 : vector<16xf32>
        %max3A_156 = arith.maximumf %max3A_141, %min3A_155 : vector<16xf32>
        %add3A_157 = arith.constant 4 : i32
        %add3A_158 = arith.addi %mul3A_99, %add3A_157 : i32
        %get3A_159 = arith.index_cast %add3A_158 : i32 to index
        %get3A_160 = arith.constant 0 : index
        %get3A_161 = tpu.vector_load %arg4[%get3A_159, %get3A_160] {strides = array<i32>} : memref<1792x16xf32, #tpu.memory_space<vmem>>, vector<1x16xf32>,
        %get3A_162 = vector.shape_cast %get3A_161 : vector<1x16xf32> to vector<16xf32>
        %max3A_163 = arith.maximumf %max3A_148, %get3A_162 : vector<16xf32>
        %min3A_164 = arith.minimumf %max3A_148, %get3A_162 : vector<16xf32>
        %max3A_165 = arith.maximumf %max3A_150, %min3A_164 : vector<16xf32>
        %min3A_166 = arith.minimumf %max3A_150, %min3A_164 : vector<16xf32>
        %max3A_167 = arith.maximumf %max3A_152, %min3A_166 : vector<16xf32>
        %min3A_168 = arith.minimumf %max3A_152, %min3A_166 : vector<16xf32>
        %max3A_169 = arith.maximumf %max3A_154, %min3A_168 : vector<16xf32>
        %min3A_170 = arith.minimumf %max3A_154, %min3A_168 : vector<16xf32>
        %max3A_171 = arith.maximumf %max3A_156, %min3A_170 : vector<16xf32>
        %add3A_172 = arith.constant 5 : i32
        %add3A_173 = arith.addi %mul3A_99, %add3A_172 : i32
        %get3A_174 = arith.index_cast %add3A_173 : i32 to index
        %get3A_175 = arith.constant 0 : index
        %get3A_176 = tpu.vector_load %arg4[%get3A_174, %get3A_175] {strides = array<i32>} : memref<1792x16xf32, #tpu.memory_space<vmem>>, vector<1x16xf32>,
        %get3A_177 = vector.shape_cast %get3A_176 : vector<1x16xf32> to vector<16xf32>
        %max3A_178 = arith.maximumf %max3A_163, %get3A_177 : vector<16xf32>
        %min3A_179 = arith.minimumf %max3A_163, %get3A_177 : vector<16xf32>
        %max3A_180 = arith.maximumf %max3A_165, %min3A_179 : vector<16xf32>
        %min3A_181 = arith.minimumf %max3A_165, %min3A_179 : vector<16xf32>
        %max3A_182 = arith.maximumf %max3A_167, %min3A_181 : vector<16xf32>
        %min3A_183 = arith.minimumf %max3A_167, %min3A_181 : vector<16xf32>
        %max3A_184 = arith.maximumf %max3A_169, %min3A_183 : vector<16xf32>
        %min3A_185 = arith.minimumf %max3A_169, %min3A_183 : vector<16xf32>
        %max3A_186 = arith.maximumf %max3A_171, %min3A_185 : vector<16xf32>
        %add3A_187 = arith.constant 6 : i32
        %add3A_188 = arith.addi %mul3A_99, %add3A_187 : i32
        %get3A_189 = arith.index_cast %add3A_188 : i32 to index
        %get3A_190 = arith.constant 0 : index
        %get3A_191 = tpu.vector_load %arg4[%get3A_189, %get3A_190] {strides = array<i32>} : memref<1792x16xf32, #tpu.memory_space<vmem>>, vector<1x16xf32>,
        %get3A_192 = vector.shape_cast %get3A_191 : vector<1x16xf32> to vector<16xf32>
        %max3A_193 = arith.maximumf %max3A_178, %get3A_192 : vector<16xf32>
        %min3A_194 = arith.minimumf %max3A_178, %get3A_192 : vector<16xf32>
        %max3A_195 = arith.maximumf %max3A_180, %min3A_194 : vector<16xf32>
        %min3A_196 = arith.minimumf %max3A_180, %min3A_194 : vector<16xf32>
        %max3A_197 = arith.maximumf %max3A_182, %min3A_196 : vector<16xf32>
        %min3A_198 = arith.minimumf %max3A_182, %min3A_196 : vector<16xf32>
        %max3A_199 = arith.maximumf %max3A_184, %min3A_198 : vector<16xf32>
        %min3A_200 = arith.minimumf %max3A_184, %min3A_198 : vector<16xf32>
        %max3A_201 = arith.maximumf %max3A_186, %min3A_200 : vector<16xf32>
        %add3A_202 = arith.constant 7 : i32
        %add3A_203 = arith.addi %mul3A_99, %add3A_202 : i32
        %get3A_204 = arith.index_cast %add3A_203 : i32 to index
        %get3A_205 = arith.constant 0 : index
        %get3A_206 = tpu.vector_load %arg4[%get3A_204, %get3A_205] {strides = array<i32>} : memref<1792x16xf32, #tpu.memory_space<vmem>>, vector<1x16xf32>,
        %get3A_207 = vector.shape_cast %get3A_206 : vector<1x16xf32> to vector<16xf32>
        %max3A_208 = arith.maximumf %max3A_193, %get3A_207 : vector<16xf32>
        %min3A_209 = arith.minimumf %max3A_193, %get3A_207 : vector<16xf32>
        %max3A_210 = arith.maximumf %max3A_195, %min3A_209 : vector<16xf32>
        %min3A_211 = arith.minimumf %max3A_195, %min3A_209 : vector<16xf32>
        %max3A_212 = arith.maximumf %max3A_197, %min3A_211 : vector<16xf32>
        %min3A_213 = arith.minimumf %max3A_197, %min3A_211 : vector<16xf32>
        %max3A_214 = arith.maximumf %max3A_199, %min3A_213 : vector<16xf32>
        %min3A_215 = arith.minimumf %max3A_199, %min3A_213 : vector<16xf32>
        %max3A_216 = arith.maximumf %max3A_201, %min3A_215 : vector<16xf32>
        scf.yield %max3A_208, %max3A_210, %max3A_212, %max3A_214, %max3A_216 : vector<16xf32>, vector<16xf32>, vector<16xf32>, vector<16xf32>, vector<16xf32>
      }
      %scan3A_73 = arith.constant 224 : i32
      %lt3A_74 = arith.constant 13 : i32
      %lt3A_75 = arith.cmpi slt, %scan3A_61, %lt3A_74 : i32
      %convert_element_type3A_76 = arith.extui %lt3A_75 : i1 to i32
      %cond3A_77 = arith.constant 0 : i32
      %cond3A_78 = arith.cmpi ne, %convert_element_type3A_76, %cond3A_77 : i32
      scf.if %cond3A_78 {
        %mul3A_92 = arith.constant 2 : i32
        %mul3A_93 = arith.muli %mul3A_92, %scan3A_61 : i32
        %add3A_94 = arith.constant 2 : i32
        %add3A_95 = arith.addi %mul3A_93, %add3A_94 : i32
        %mul3A_96 = arith.constant 1792 : i32
        %mul3A_97 = arith.muli %add3A_95, %mul3A_96 : i32
        %add3A_98 = arith.addi %mul3A_32, %mul3A_97 : i32
        %dma_start3A_99 = tpu.memref_slice %arg2[%add3A_98, %mul3A_34] : memref<401408x96xf32, #tpu.memory_space<hbm>> -> memref<1792x16xf32, #tpu.memory_space<hbm>>
        %dma_start3A_100 = tpu.memref_slice %arg2[%add3A_98, %mul3A_34] : memref<401408x96xf32, #tpu.memory_space<hbm>> -> memref<1792x16xf32, #tpu.memory_space<hbm>>
        tpu.enqueue_dma source(%dma_start3A_100 : memref<1792x16xf32, #tpu.memory_space<hbm>>) target(%arg4 : memref<1792x16xf32, #tpu.memory_space<vmem>>) target_semaphore(%arg7 : memref<!tpu.dma_semaphore, #tpu.memory_space<semaphore_mem>>)
      } else {
      }
      %dma_wait3A_79 = tpu.memref_slice %arg2[%mul3A_32, %mul3A_34] : memref<401408x96xf32, #tpu.memory_space<hbm>> -> memref<1792x16xf32, #tpu.memory_space<hbm>>
      %dma_wait3A_80 = tpu.memref_slice %arg2[%mul3A_32, %mul3A_34] : memref<401408x96xf32, #tpu.memory_space<hbm>> -> memref<1792x16xf32, #tpu.memory_space<hbm>>
      tpu.wait_dma2 semaphore(%arg8 : memref<!tpu.dma_semaphore, #tpu.memory_space<semaphore_mem>>) src(%dma_wait3A_80 : memref<1792x16xf32, #tpu.memory_space<hbm>>) dst(%arg5 : memref<1792x16xf32, #tpu.memory_space<vmem>>)
      %scan3A_81 = arith.constant 0 : i32
      %scan3A_82 = arith.constant 224 : i32
      %scan3A_83 = arith.addi %scan3A_81, %scan3A_82 : i32
      %scan3A_84 = arith.constant 1 : i32
      %scan3A_85:5 = scf.for %scan3A_92 = %scan3A_81 to %scan3A_83 step %scan3A_84 iter_args(%scan3A_93 = %scan3A_72#0, %scan3A_94 = %scan3A_72#1, %scan3A_95 = %scan3A_72#2, %scan3A_96 = %scan3A_72#3, %scan3A_97 = %scan3A_72#4) -> (vector<16xf32>, vector<16xf32>, vector<16xf32>, vector<16xf32>, vector<16xf32>)  : i32 {
        %mul3A_98 = arith.constant 8 : i32
        %mul3A_99 = arith.muli %scan3A_92, %mul3A_98 : i32
        %add3A_100 = arith.constant 0 : i32
        %add3A_101 = arith.addi %mul3A_99, %add3A_100 : i32
        %get3A = arith.index_cast %add3A_101 : i32 to index
        %get3A_102 = arith.constant 0 : index
        %get3A_103 = tpu.vector_load %arg5[%get3A, %get3A_102] {strides = array<i32>} : memref<1792x16xf32, #tpu.memory_space<vmem>>, vector<1x16xf32>,
        %get3A_104 = vector.shape_cast %get3A_103 : vector<1x16xf32> to vector<16xf32>
        %max3A = arith.maximumf %scan3A_93, %get3A_104 : vector<16xf32>
        %min3A = arith.minimumf %scan3A_93, %get3A_104 : vector<16xf32>
        %max3A_105 = arith.maximumf %scan3A_94, %min3A : vector<16xf32>
        %min3A_106 = arith.minimumf %scan3A_94, %min3A : vector<16xf32>
        %max3A_107 = arith.maximumf %scan3A_95, %min3A_106 : vector<16xf32>
        %min3A_108 = arith.minimumf %scan3A_95, %min3A_106 : vector<16xf32>
        %max3A_109 = arith.maximumf %scan3A_96, %min3A_108 : vector<16xf32>
        %min3A_110 = arith.minimumf %scan3A_96, %min3A_108 : vector<16xf32>
        %max3A_111 = arith.maximumf %scan3A_97, %min3A_110 : vector<16xf32>
        %add3A_112 = arith.constant 1 : i32
        %add3A_113 = arith.addi %mul3A_99, %add3A_112 : i32
        %get3A_114 = arith.index_cast %add3A_113 : i32 to index
        %get3A_115 = arith.constant 0 : index
        %get3A_116 = tpu.vector_load %arg5[%get3A_114, %get3A_115] {strides = array<i32>} : memref<1792x16xf32, #tpu.memory_space<vmem>>, vector<1x16xf32>,
        %get3A_117 = vector.shape_cast %get3A_116 : vector<1x16xf32> to vector<16xf32>
        %max3A_118 = arith.maximumf %max3A, %get3A_117 : vector<16xf32>
        %min3A_119 = arith.minimumf %max3A, %get3A_117 : vector<16xf32>
        %max3A_120 = arith.maximumf %max3A_105, %min3A_119 : vector<16xf32>
        %min3A_121 = arith.minimumf %max3A_105, %min3A_119 : vector<16xf32>
        %max3A_122 = arith.maximumf %max3A_107, %min3A_121 : vector<16xf32>
        %min3A_123 = arith.minimumf %max3A_107, %min3A_121 : vector<16xf32>
        %max3A_124 = arith.maximumf %max3A_109, %min3A_123 : vector<16xf32>
        %min3A_125 = arith.minimumf %max3A_109, %min3A_123 : vector<16xf32>
        %max3A_126 = arith.maximumf %max3A_111, %min3A_125 : vector<16xf32>
        %add3A_127 = arith.constant 2 : i32
        %add3A_128 = arith.addi %mul3A_99, %add3A_127 : i32
        %get3A_129 = arith.index_cast %add3A_128 : i32 to index
        %get3A_130 = arith.constant 0 : index
        %get3A_131 = tpu.vector_load %arg5[%get3A_129, %get3A_130] {strides = array<i32>} : memref<1792x16xf32, #tpu.memory_space<vmem>>, vector<1x16xf32>,
        %get3A_132 = vector.shape_cast %get3A_131 : vector<1x16xf32> to vector<16xf32>
        %max3A_133 = arith.maximumf %max3A_118, %get3A_132 : vector<16xf32>
        %min3A_134 = arith.minimumf %max3A_118, %get3A_132 : vector<16xf32>
        %max3A_135 = arith.maximumf %max3A_120, %min3A_134 : vector<16xf32>
        %min3A_136 = arith.minimumf %max3A_120, %min3A_134 : vector<16xf32>
        %max3A_137 = arith.maximumf %max3A_122, %min3A_136 : vector<16xf32>
        %min3A_138 = arith.minimumf %max3A_122, %min3A_136 : vector<16xf32>
        %max3A_139 = arith.maximumf %max3A_124, %min3A_138 : vector<16xf32>
        %min3A_140 = arith.minimumf %max3A_124, %min3A_138 : vector<16xf32>
        %max3A_141 = arith.maximumf %max3A_126, %min3A_140 : vector<16xf32>
        %add3A_142 = arith.constant 3 : i32
        %add3A_143 = arith.addi %mul3A_99, %add3A_142 : i32
        %get3A_144 = arith.index_cast %add3A_143 : i32 to index
        %get3A_145 = arith.constant 0 : index
        %get3A_146 = tpu.vector_load %arg5[%get3A_144, %get3A_145] {strides = array<i32>} : memref<1792x16xf32, #tpu.memory_space<vmem>>, vector<1x16xf32>,
        %get3A_147 = vector.shape_cast %get3A_146 : vector<1x16xf32> to vector<16xf32>
        %max3A_148 = arith.maximumf %max3A_133, %get3A_147 : vector<16xf32>
        %min3A_149 = arith.minimumf %max3A_133, %get3A_147 : vector<16xf32>
        %max3A_150 = arith.maximumf %max3A_135, %min3A_149 : vector<16xf32>
        %min3A_151 = arith.minimumf %max3A_135, %min3A_149 : vector<16xf32>
        %max3A_152 = arith.maximumf %max3A_137, %min3A_151 : vector<16xf32>
        %min3A_153 = arith.minimumf %max3A_137, %min3A_151 : vector<16xf32>
        %max3A_154 = arith.maximumf %max3A_139, %min3A_153 : vector<16xf32>
        %min3A_155 = arith.minimumf %max3A_139, %min3A_153 : vector<16xf32>
        %max3A_156 = arith.maximumf %max3A_141, %min3A_155 : vector<16xf32>
        %add3A_157 = arith.constant 4 : i32
        %add3A_158 = arith.addi %mul3A_99, %add3A_157 : i32
        %get3A_159 = arith.index_cast %add3A_158 : i32 to index
        %get3A_160 = arith.constant 0 : index
        %get3A_161 = tpu.vector_load %arg5[%get3A_159, %get3A_160] {strides = array<i32>} : memref<1792x16xf32, #tpu.memory_space<vmem>>, vector<1x16xf32>,
        %get3A_162 = vector.shape_cast %get3A_161 : vector<1x16xf32> to vector<16xf32>
        %max3A_163 = arith.maximumf %max3A_148, %get3A_162 : vector<16xf32>
        %min3A_164 = arith.minimumf %max3A_148, %get3A_162 : vector<16xf32>
        %max3A_165 = arith.maximumf %max3A_150, %min3A_164 : vector<16xf32>
        %min3A_166 = arith.minimumf %max3A_150, %min3A_164 : vector<16xf32>
        %max3A_167 = arith.maximumf %max3A_152, %min3A_166 : vector<16xf32>
        %min3A_168 = arith.minimumf %max3A_152, %min3A_166 : vector<16xf32>
        %max3A_169 = arith.maximumf %max3A_154, %min3A_168 : vector<16xf32>
        %min3A_170 = arith.minimumf %max3A_154, %min3A_168 : vector<16xf32>
        %max3A_171 = arith.maximumf %max3A_156, %min3A_170 : vector<16xf32>
        %add3A_172 = arith.constant 5 : i32
        %add3A_173 = arith.addi %mul3A_99, %add3A_172 : i32
        %get3A_174 = arith.index_cast %add3A_173 : i32 to index
        %get3A_175 = arith.constant 0 : index
        %get3A_176 = tpu.vector_load %arg5[%get3A_174, %get3A_175] {strides = array<i32>} : memref<1792x16xf32, #tpu.memory_space<vmem>>, vector<1x16xf32>,
        %get3A_177 = vector.shape_cast %get3A_176 : vector<1x16xf32> to vector<16xf32>
        %max3A_178 = arith.maximumf %max3A_163, %get3A_177 : vector<16xf32>
        %min3A_179 = arith.minimumf %max3A_163, %get3A_177 : vector<16xf32>
        %max3A_180 = arith.maximumf %max3A_165, %min3A_179 : vector<16xf32>
        %min3A_181 = arith.minimumf %max3A_165, %min3A_179 : vector<16xf32>
        %max3A_182 = arith.maximumf %max3A_167, %min3A_181 : vector<16xf32>
        %min3A_183 = arith.minimumf %max3A_167, %min3A_181 : vector<16xf32>
        %max3A_184 = arith.maximumf %max3A_169, %min3A_183 : vector<16xf32>
        %min3A_185 = arith.minimumf %max3A_169, %min3A_183 : vector<16xf32>
        %max3A_186 = arith.maximumf %max3A_171, %min3A_185 : vector<16xf32>
        %add3A_187 = arith.constant 6 : i32
        %add3A_188 = arith.addi %mul3A_99, %add3A_187 : i32
        %get3A_189 = arith.index_cast %add3A_188 : i32 to index
        %get3A_190 = arith.constant 0 : index
        %get3A_191 = tpu.vector_load %arg5[%get3A_189, %get3A_190] {strides = array<i32>} : memref<1792x16xf32, #tpu.memory_space<vmem>>, vector<1x16xf32>,
        %get3A_192 = vector.shape_cast %get3A_191 : vector<1x16xf32> to vector<16xf32>
        %max3A_193 = arith.maximumf %max3A_178, %get3A_192 : vector<16xf32>
        %min3A_194 = arith.minimumf %max3A_178, %get3A_192 : vector<16xf32>
        %max3A_195 = arith.maximumf %max3A_180, %min3A_194 : vector<16xf32>
        %min3A_196 = arith.minimumf %max3A_180, %min3A_194 : vector<16xf32>
        %max3A_197 = arith.maximumf %max3A_182, %min3A_196 : vector<16xf32>
        %min3A_198 = arith.minimumf %max3A_182, %min3A_196 : vector<16xf32>
        %max3A_199 = arith.maximumf %max3A_184, %min3A_198 : vector<16xf32>
        %min3A_200 = arith.minimumf %max3A_184, %min3A_198 : vector<16xf32>
        %max3A_201 = arith.maximumf %max3A_186, %min3A_200 : vector<16xf32>
        %add3A_202 = arith.constant 7 : i32
        %add3A_203 = arith.addi %mul3A_99, %add3A_202 : i32
        %get3A_204 = arith.index_cast %add3A_203 : i32 to index
        %get3A_205 = arith.constant 0 : index
        %get3A_206 = tpu.vector_load %arg5[%get3A_204, %get3A_205] {strides = array<i32>} : memref<1792x16xf32, #tpu.memory_space<vmem>>, vector<1x16xf32>,
        %get3A_207 = vector.shape_cast %get3A_206 : vector<1x16xf32> to vector<16xf32>
        %max3A_208 = arith.maximumf %max3A_193, %get3A_207 : vector<16xf32>
        %min3A_209 = arith.minimumf %max3A_193, %get3A_207 : vector<16xf32>
        %max3A_210 = arith.maximumf %max3A_195, %min3A_209 : vector<16xf32>
        %min3A_211 = arith.minimumf %max3A_195, %min3A_209 : vector<16xf32>
        %max3A_212 = arith.maximumf %max3A_197, %min3A_211 : vector<16xf32>
        %min3A_213 = arith.minimumf %max3A_197, %min3A_211 : vector<16xf32>
        %max3A_214 = arith.maximumf %max3A_199, %min3A_213 : vector<16xf32>
        %min3A_215 = arith.minimumf %max3A_199, %min3A_213 : vector<16xf32>
        %max3A_216 = arith.maximumf %max3A_201, %min3A_215 : vector<16xf32>
        scf.yield %max3A_208, %max3A_210, %max3A_212, %max3A_214, %max3A_216 : vector<16xf32>, vector<16xf32>, vector<16xf32>, vector<16xf32>, vector<16xf32>
      }
      %scan3A_86 = arith.constant 224 : i32
      %lt3A_87 = arith.constant 13 : i32
      %lt3A_88 = arith.cmpi slt, %scan3A_61, %lt3A_87 : i32
      %convert_element_type3A_89 = arith.extui %lt3A_88 : i1 to i32
      %cond3A_90 = arith.constant 0 : i32
      %cond3A_91 = arith.cmpi ne, %convert_element_type3A_89, %cond3A_90 : i32
      scf.if %cond3A_91 {
        %mul3A_92 = arith.constant 2 : i32
        %mul3A_93 = arith.muli %mul3A_92, %scan3A_61 : i32
        %add3A_94 = arith.constant 3 : i32
        %add3A_95 = arith.addi %mul3A_93, %add3A_94 : i32
        %mul3A_96 = arith.constant 1792 : i32
        %mul3A_97 = arith.muli %add3A_95, %mul3A_96 : i32
        %add3A_98 = arith.addi %mul3A_32, %mul3A_97 : i32
        %dma_start3A_99 = tpu.memref_slice %arg2[%add3A_98, %mul3A_34] : memref<401408x96xf32, #tpu.memory_space<hbm>> -> memref<1792x16xf32, #tpu.memory_space<hbm>>
        %dma_start3A_100 = tpu.memref_slice %arg2[%add3A_98, %mul3A_34] : memref<401408x96xf32, #tpu.memory_space<hbm>> -> memref<1792x16xf32, #tpu.memory_space<hbm>>
        tpu.enqueue_dma source(%dma_start3A_100 : memref<1792x16xf32, #tpu.memory_space<hbm>>) target(%arg5 : memref<1792x16xf32, #tpu.memory_space<vmem>>) target_semaphore(%arg8 : memref<!tpu.dma_semaphore, #tpu.memory_space<semaphore_mem>>)
      } else {
      }
      scf.yield %scan3A_85#0, %scan3A_85#1, %scan3A_85#2, %scan3A_85#3, %scan3A_85#4 : vector<16xf32>, vector<16xf32>, vector<16xf32>, vector<16xf32>, vector<16xf32>
    }
    %scan3A_47 = arith.constant 14 : i32
    %add3A_48 = arith.addf %scan3A_46#0, %scan3A_46#1 : vector<16xf32>
    %add3A_49 = arith.addf %add3A_48, %scan3A_46#2 : vector<16xf32>
    %add3A_50 = arith.addf %add3A_49, %scan3A_46#3 : vector<16xf32>
    %add3A_51 = arith.addf %add3A_50, %scan3A_46#4 : vector<16xf32>
    %mul3A_52 = arith.constant 2.000000e-01 : f32
    %mul3A_53 = vector.broadcast %mul3A_52 : f32 to vector<16xf32>
    %mul3A_54 = arith.mulf %add3A_51, %mul3A_53 : vector<16xf32>
    %swap3A = arith.constant 0 : index
    %swap3A_55 = tpu.vector_load %arg6[%swap3A] {strides = array<i32>} : memref<16xf32, #tpu.memory_space<vmem>>, vector<16xf32>,
    %swap3A_56 = vector.shape_cast %swap3A_55 : vector<16xf32> to vector<16xf32>
    %swap3A_57 = vector.shape_cast %mul3A_54 : vector<16xf32> to vector<16xf32>
    tpu.vector_store %arg6[%swap3A], %swap3A_57 {strides = array<i32>} : memref<16xf32, #tpu.memory_space<vmem>>, vector<16xf32>,
    "tpu.region"() ({
      %run_scoped3A = tpu.sem_alloc : memref<!tpu.dma_semaphore, #tpu.memory_space<semaphore_mem>>
      %dma_start3A_61 = tpu.memref_slice %arg3[%select_n3A, %mul3A_34] : memref<8x96xf32, #tpu.memory_space<hbm>> -> memref<1x16xf32, #tpu.memory_space<hbm>>
      %dma_start3A_62 = tpu.memref_squeeze %dma_start3A_61 : memref<1x16xf32, #tpu.memory_space<hbm>> -> memref<16xf32, #tpu.memory_space<hbm>>
      %dma_start3A_63 = tpu.memref_slice %arg3[%select_n3A, %mul3A_34] : memref<8x96xf32, #tpu.memory_space<hbm>> -> memref<1x16xf32, #tpu.memory_space<hbm>>
      %dma_start3A_64 = tpu.memref_squeeze %dma_start3A_63 : memref<1x16xf32, #tpu.memory_space<hbm>> -> memref<16xf32, #tpu.memory_space<hbm>>
      tpu.enqueue_dma source(%arg6 : memref<16xf32, #tpu.memory_space<vmem>>) target(%dma_start3A_64 : memref<16xf32, #tpu.memory_space<hbm>>) target_semaphore(%run_scoped3A : memref<!tpu.dma_semaphore, #tpu.memory_space<semaphore_mem>>)
      %dma_wait3A = tpu.memref_slice %arg3[%select_n3A, %mul3A_34] : memref<8x96xf32, #tpu.memory_space<hbm>> -> memref<1x16xf32, #tpu.memory_space<hbm>>
      %dma_wait3A_65 = tpu.memref_squeeze %dma_wait3A : memref<1x16xf32, #tpu.memory_space<hbm>> -> memref<16xf32, #tpu.memory_space<hbm>>
      %dma_wait3A_66 = tpu.memref_slice %arg3[%select_n3A, %mul3A_34] : memref<8x96xf32, #tpu.memory_space<hbm>> -> memref<1x16xf32, #tpu.memory_space<hbm>>
      %dma_wait3A_67 = tpu.memref_squeeze %dma_wait3A_66 : memref<1x16xf32, #tpu.memory_space<hbm>> -> memref<16xf32, #tpu.memory_space<hbm>>
      tpu.wait_dma2 semaphore(%run_scoped3A : memref<!tpu.dma_semaphore, #tpu.memory_space<semaphore_mem>>) src(%arg6 : memref<16xf32, #tpu.memory_space<vmem>>) dst(%dma_wait3A_67 : memref<16xf32, #tpu.memory_space<hbm>>)
      tpu.yield
    }) : () -> ()
    %lt3A_58 = arith.constant 16 : i32
    %lt3A_59 = arith.cmpi slt, %add3A, %lt3A_58 : i32
    %convert_element_type3A = arith.extui %lt3A_59 : i1 to i32
    %cond3A = arith.constant 0 : i32
    %cond3A_60 = arith.cmpi ne, %convert_element_type3A, %cond3A : i32
    scf.if %cond3A_60 {
      %add3A_61 = arith.constant 32 : i32
      %add3A_62 = arith.addi %add3A, %add3A_61 : i32
      %jit3A_63 = arith.constant 6 : i32
      %div3A_64 = arith.divsi %add3A_62, %jit3A_63 : i32
      %sign3A_65 = arith.constant 0 : i32
      %sign3A_66 = arith.cmpi sgt, %add3A_62, %sign3A_65 : i32
      %sign3A_67 = arith.extui %sign3A_66 : i1 to i32
      %sign3A_68 = arith.constant 0 : i32
      %sign3A_69 = arith.cmpi slt, %add3A_62, %sign3A_68 : i32
      %sign3A_70 = arith.extui %sign3A_69 : i1 to i32
      %sign3A_71 = arith.subi %sign3A_67, %sign3A_70 : i32
      %sign3A_72 = arith.constant 0 : i32
      %sign3A_73 = arith.cmpi sgt, %jit3A_63, %sign3A_72 : i32
      %sign3A_74 = arith.extui %sign3A_73 : i1 to i32
      %sign3A_75 = arith.constant 0 : i32
      %sign3A_76 = arith.cmpi slt, %jit3A_63, %sign3A_75 : i32
      %sign3A_77 = arith.extui %sign3A_76 : i1 to i32
      %sign3A_78 = arith.subi %sign3A_74, %sign3A_77 : i32
      %ne3A_79 = arith.cmpi ne, %sign3A_71, %sign3A_78 : i32
      %rem3A_80 = arith.remsi %add3A_62, %jit3A_63 : i32
      %ne3A_81 = arith.constant 0 : i32
      %ne3A_82 = arith.cmpi ne, %rem3A_80, %ne3A_81 : i32
      %and3A_83 = arith.andi %ne3A_79, %ne3A_82 : i1
      %sub3A_84 = arith.constant 1 : i32
      %sub3A_85 = arith.subi %div3A_64, %sub3A_84 : i32
      %select_n3A_86 = arith.select %and3A_83, %sub3A_85, %div3A_64 : i32
      %jit3A_87 = arith.constant 6 : i32
      %eq3A_88 = arith.constant 0 : i32
      %eq3A_89 = arith.cmpi eq, %jit3A_87, %eq3A_88 : i32
      %jit3A_90 = arith.constant 1 : i32
      %select_n3A_91 = arith.select %eq3A_89, %jit3A_90, %jit3A_87 : i32
      %rem3A_92 = arith.remsi %add3A_62, %select_n3A_91 : i32
      %ne3A_93 = arith.constant 0 : i32
      %ne3A_94 = arith.cmpi ne, %rem3A_92, %ne3A_93 : i32
      %lt3A_95 = arith.constant 0 : i32
      %lt3A_96 = arith.cmpi slt, %rem3A_92, %lt3A_95 : i32
      %lt3A_97 = arith.constant 0 : i32
      %lt3A_98 = arith.cmpi slt, %select_n3A_91, %lt3A_97 : i32
      %ne3A_99 = arith.xori %lt3A_96, %lt3A_98 : i1
      %and3A_100 = arith.andi %ne3A_99, %ne3A_94 : i1
      %add3A_101 = arith.addi %rem3A_92, %select_n3A_91 : i32
      %select_n3A_102 = arith.select %and3A_100, %add3A_101, %rem3A_92 : i32
      %mul3A_103 = arith.constant 50176 : i32
      %mul3A_104 = arith.muli %select_n3A_86, %mul3A_103 : i32
      %mul3A_105 = arith.constant 16 : i32
      %mul3A_106 = arith.muli %select_n3A_102, %mul3A_105 : i32
      %add3A_107 = arith.constant 0 : i32
      %add3A_108 = arith.addi %mul3A_104, %add3A_107 : i32
      %dma_start3A_109 = tpu.memref_slice %arg2[%add3A_108, %mul3A_106] : memref<401408x96xf32, #tpu.memory_space<hbm>> -> memref<1792x16xf32, #tpu.memory_space<hbm>>
      %dma_start3A_110 = tpu.memref_slice %arg2[%add3A_108, %mul3A_106] : memref<401408x96xf32, #tpu.memory_space<hbm>> -> memref<1792x16xf32, #tpu.memory_space<hbm>>
      tpu.enqueue_dma source(%dma_start3A_110 : memref<1792x16xf32, #tpu.memory_space<hbm>>) target(%arg4 : memref<1792x16xf32, #tpu.memory_space<vmem>>) target_semaphore(%arg7 : memref<!tpu.dma_semaphore, #tpu.memory_space<semaphore_mem>>)
      %add3A_111 = arith.constant 1792 : i32
      %add3A_112 = arith.addi %mul3A_104, %add3A_111 : i32
      %dma_start3A_113 = tpu.memref_slice %arg2[%add3A_112, %mul3A_106] : memref<401408x96xf32, #tpu.memory_space<hbm>> -> memref<1792x16xf32, #tpu.memory_space<hbm>>
      %dma_start3A_114 = tpu.memref_slice %arg2[%add3A_112, %mul3A_106] : memref<401408x96xf32, #tpu.memory_space<hbm>> -> memref<1792x16xf32, #tpu.memory_space<hbm>>
      tpu.enqueue_dma source(%dma_start3A_114 : memref<1792x16xf32, #tpu.memory_space<hbm>>) target(%arg5 : memref<1792x16xf32, #tpu.memory_space<vmem>>) target_semaphore(%arg8 : memref<!tpu.dma_semaphore, #tpu.memory_space<semaphore_mem>>)
      %broadcast_in_dim3A_115 = arith.constant 0xFF800000 : f32
      %broadcast_in_dim3A_116 = vector.broadcast %broadcast_in_dim3A_115 : f32 to vector<16xf32>
      %scan3A_117 = arith.constant 0 : i32
      %scan3A_118 = arith.constant 14 : i32
      %scan3A_119 = arith.addi %scan3A_117, %scan3A_118 : i32
      %scan3A_120 = arith.constant 1 : i32
      %scan3A_121:5 = scf.for %scan3A_134 = %scan3A_117 to %scan3A_119 step %scan3A_120 iter_args(%scan3A_135 = %broadcast_in_dim3A_116, %scan3A_136 = %broadcast_in_dim3A_116, %scan3A_137 = %broadcast_in_dim3A_116, %scan3A_138 = %broadcast_in_dim3A_116, %scan3A_139 = %broadcast_in_dim3A_116) -> (vector<16xf32>, vector<16xf32>, vector<16xf32>, vector<16xf32>, vector<16xf32>)  : i32 {
        %dma_wait3A = tpu.memref_slice %arg2[%mul3A_104, %mul3A_106] : memref<401408x96xf32, #tpu.memory_space<hbm>> -> memref<1792x16xf32, #tpu.memory_space<hbm>>
        %dma_wait3A_140 = tpu.memref_slice %arg2[%mul3A_104, %mul3A_106] : memref<401408x96xf32, #tpu.memory_space<hbm>> -> memref<1792x16xf32, #tpu.memory_space<hbm>>
        tpu.wait_dma2 semaphore(%arg7 : memref<!tpu.dma_semaphore, #tpu.memory_space<semaphore_mem>>) src(%dma_wait3A_140 : memref<1792x16xf32, #tpu.memory_space<hbm>>) dst(%arg4 : memref<1792x16xf32, #tpu.memory_space<vmem>>)
        %scan3A_141 = arith.constant 0 : i32
        %scan3A_142 = arith.constant 224 : i32
        %scan3A_143 = arith.addi %scan3A_141, %scan3A_142 : i32
        %scan3A_144 = arith.constant 1 : i32
        %scan3A_145:5 = scf.for %scan3A_165 = %scan3A_141 to %scan3A_143 step %scan3A_144 iter_args(%scan3A_166 = %scan3A_135, %scan3A_167 = %scan3A_136, %scan3A_168 = %scan3A_137, %scan3A_169 = %scan3A_138, %scan3A_170 = %scan3A_139) -> (vector<16xf32>, vector<16xf32>, vector<16xf32>, vector<16xf32>, vector<16xf32>)  : i32 {
          %mul3A_171 = arith.constant 8 : i32
          %mul3A_172 = arith.muli %scan3A_165, %mul3A_171 : i32
          %add3A_173 = arith.constant 0 : i32
          %add3A_174 = arith.addi %mul3A_172, %add3A_173 : i32
          %get3A = arith.index_cast %add3A_174 : i32 to index
          %get3A_175 = arith.constant 0 : index
          %get3A_176 = tpu.vector_load %arg4[%get3A, %get3A_175] {strides = array<i32>} : memref<1792x16xf32, #tpu.memory_space<vmem>>, vector<1x16xf32>,
          %get3A_177 = vector.shape_cast %get3A_176 : vector<1x16xf32> to vector<16xf32>
          %max3A = arith.maximumf %scan3A_166, %get3A_177 : vector<16xf32>
          %min3A = arith.minimumf %scan3A_166, %get3A_177 : vector<16xf32>
          %max3A_178 = arith.maximumf %scan3A_167, %min3A : vector<16xf32>
          %min3A_179 = arith.minimumf %scan3A_167, %min3A : vector<16xf32>
          %max3A_180 = arith.maximumf %scan3A_168, %min3A_179 : vector<16xf32>
          %min3A_181 = arith.minimumf %scan3A_168, %min3A_179 : vector<16xf32>
          %max3A_182 = arith.maximumf %scan3A_169, %min3A_181 : vector<16xf32>
          %min3A_183 = arith.minimumf %scan3A_169, %min3A_181 : vector<16xf32>
          %max3A_184 = arith.maximumf %scan3A_170, %min3A_183 : vector<16xf32>
          %add3A_185 = arith.constant 1 : i32
          %add3A_186 = arith.addi %mul3A_172, %add3A_185 : i32
          %get3A_187 = arith.index_cast %add3A_186 : i32 to index
          %get3A_188 = arith.constant 0 : index
          %get3A_189 = tpu.vector_load %arg4[%get3A_187, %get3A_188] {strides = array<i32>} : memref<1792x16xf32, #tpu.memory_space<vmem>>, vector<1x16xf32>,
          %get3A_190 = vector.shape_cast %get3A_189 : vector<1x16xf32> to vector<16xf32>
          %max3A_191 = arith.maximumf %max3A, %get3A_190 : vector<16xf32>
          %min3A_192 = arith.minimumf %max3A, %get3A_190 : vector<16xf32>
          %max3A_193 = arith.maximumf %max3A_178, %min3A_192 : vector<16xf32>
          %min3A_194 = arith.minimumf %max3A_178, %min3A_192 : vector<16xf32>
          %max3A_195 = arith.maximumf %max3A_180, %min3A_194 : vector<16xf32>
          %min3A_196 = arith.minimumf %max3A_180, %min3A_194 : vector<16xf32>
          %max3A_197 = arith.maximumf %max3A_182, %min3A_196 : vector<16xf32>
          %min3A_198 = arith.minimumf %max3A_182, %min3A_196 : vector<16xf32>
          %max3A_199 = arith.maximumf %max3A_184, %min3A_198 : vector<16xf32>
          %add3A_200 = arith.constant 2 : i32
          %add3A_201 = arith.addi %mul3A_172, %add3A_200 : i32
          %get3A_202 = arith.index_cast %add3A_201 : i32 to index
          %get3A_203 = arith.constant 0 : index
          %get3A_204 = tpu.vector_load %arg4[%get3A_202, %get3A_203] {strides = array<i32>} : memref<1792x16xf32, #tpu.memory_space<vmem>>, vector<1x16xf32>,
          %get3A_205 = vector.shape_cast %get3A_204 : vector<1x16xf32> to vector<16xf32>
          %max3A_206 = arith.maximumf %max3A_191, %get3A_205 : vector<16xf32>
          %min3A_207 = arith.minimumf %max3A_191, %get3A_205 : vector<16xf32>
          %max3A_208 = arith.maximumf %max3A_193, %min3A_207 : vector<16xf32>
          %min3A_209 = arith.minimumf %max3A_193, %min3A_207 : vector<16xf32>
          %max3A_210 = arith.maximumf %max3A_195, %min3A_209 : vector<16xf32>
          %min3A_211 = arith.minimumf %max3A_195, %min3A_209 : vector<16xf32>
          %max3A_212 = arith.maximumf %max3A_197, %min3A_211 : vector<16xf32>
          %min3A_213 = arith.minimumf %max3A_197, %min3A_211 : vector<16xf32>
          %max3A_214 = arith.maximumf %max3A_199, %min3A_213 : vector<16xf32>
          %add3A_215 = arith.constant 3 : i32
          %add3A_216 = arith.addi %mul3A_172, %add3A_215 : i32
          %get3A_217 = arith.index_cast %add3A_216 : i32 to index
          %get3A_218 = arith.constant 0 : index
          %get3A_219 = tpu.vector_load %arg4[%get3A_217, %get3A_218] {strides = array<i32>} : memref<1792x16xf32, #tpu.memory_space<vmem>>, vector<1x16xf32>,
          %get3A_220 = vector.shape_cast %get3A_219 : vector<1x16xf32> to vector<16xf32>
          %max3A_221 = arith.maximumf %max3A_206, %get3A_220 : vector<16xf32>
          %min3A_222 = arith.minimumf %max3A_206, %get3A_220 : vector<16xf32>
          %max3A_223 = arith.maximumf %max3A_208, %min3A_222 : vector<16xf32>
          %min3A_224 = arith.minimumf %max3A_208, %min3A_222 : vector<16xf32>
          %max3A_225 = arith.maximumf %max3A_210, %min3A_224 : vector<16xf32>
          %min3A_226 = arith.minimumf %max3A_210, %min3A_224 : vector<16xf32>
          %max3A_227 = arith.maximumf %max3A_212, %min3A_226 : vector<16xf32>
          %min3A_228 = arith.minimumf %max3A_212, %min3A_226 : vector<16xf32>
          %max3A_229 = arith.maximumf %max3A_214, %min3A_228 : vector<16xf32>
          %add3A_230 = arith.constant 4 : i32
          %add3A_231 = arith.addi %mul3A_172, %add3A_230 : i32
          %get3A_232 = arith.index_cast %add3A_231 : i32 to index
          %get3A_233 = arith.constant 0 : index
          %get3A_234 = tpu.vector_load %arg4[%get3A_232, %get3A_233] {strides = array<i32>} : memref<1792x16xf32, #tpu.memory_space<vmem>>, vector<1x16xf32>,
          %get3A_235 = vector.shape_cast %get3A_234 : vector<1x16xf32> to vector<16xf32>
          %max3A_236 = arith.maximumf %max3A_221, %get3A_235 : vector<16xf32>
          %min3A_237 = arith.minimumf %max3A_221, %get3A_235 : vector<16xf32>
          %max3A_238 = arith.maximumf %max3A_223, %min3A_237 : vector<16xf32>
          %min3A_239 = arith.minimumf %max3A_223, %min3A_237 : vector<16xf32>
          %max3A_240 = arith.maximumf %max3A_225, %min3A_239 : vector<16xf32>
          %min3A_241 = arith.minimumf %max3A_225, %min3A_239 : vector<16xf32>
          %max3A_242 = arith.maximumf %max3A_227, %min3A_241 : vector<16xf32>
          %min3A_243 = arith.minimumf %max3A_227, %min3A_241 : vector<16xf32>
          %max3A_244 = arith.maximumf %max3A_229, %min3A_243 : vector<16xf32>
          %add3A_245 = arith.constant 5 : i32
          %add3A_246 = arith.addi %mul3A_172, %add3A_245 : i32
          %get3A_247 = arith.index_cast %add3A_246 : i32 to index
          %get3A_248 = arith.constant 0 : index
          %get3A_249 = tpu.vector_load %arg4[%get3A_247, %get3A_248] {strides = array<i32>} : memref<1792x16xf32, #tpu.memory_space<vmem>>, vector<1x16xf32>,
          %get3A_250 = vector.shape_cast %get3A_249 : vector<1x16xf32> to vector<16xf32>
          %max3A_251 = arith.maximumf %max3A_236, %get3A_250 : vector<16xf32>
          %min3A_252 = arith.minimumf %max3A_236, %get3A_250 : vector<16xf32>
          %max3A_253 = arith.maximumf %max3A_238, %min3A_252 : vector<16xf32>
          %min3A_254 = arith.minimumf %max3A_238, %min3A_252 : vector<16xf32>
          %max3A_255 = arith.maximumf %max3A_240, %min3A_254 : vector<16xf32>
          %min3A_256 = arith.minimumf %max3A_240, %min3A_254 : vector<16xf32>
          %max3A_257 = arith.maximumf %max3A_242, %min3A_256 : vector<16xf32>
          %min3A_258 = arith.minimumf %max3A_242, %min3A_256 : vector<16xf32>
          %max3A_259 = arith.maximumf %max3A_244, %min3A_258 : vector<16xf32>
          %add3A_260 = arith.constant 6 : i32
          %add3A_261 = arith.addi %mul3A_172, %add3A_260 : i32
          %get3A_262 = arith.index_cast %add3A_261 : i32 to index
          %get3A_263 = arith.constant 0 : index
          %get3A_264 = tpu.vector_load %arg4[%get3A_262, %get3A_263] {strides = array<i32>} : memref<1792x16xf32, #tpu.memory_space<vmem>>, vector<1x16xf32>,
          %get3A_265 = vector.shape_cast %get3A_264 : vector<1x16xf32> to vector<16xf32>
          %max3A_266 = arith.maximumf %max3A_251, %get3A_265 : vector<16xf32>
          %min3A_267 = arith.minimumf %max3A_251, %get3A_265 : vector<16xf32>
          %max3A_268 = arith.maximumf %max3A_253, %min3A_267 : vector<16xf32>
          %min3A_269 = arith.minimumf %max3A_253, %min3A_267 : vector<16xf32>
          %max3A_270 = arith.maximumf %max3A_255, %min3A_269 : vector<16xf32>
          %min3A_271 = arith.minimumf %max3A_255, %min3A_269 : vector<16xf32>
          %max3A_272 = arith.maximumf %max3A_257, %min3A_271 : vector<16xf32>
          %min3A_273 = arith.minimumf %max3A_257, %min3A_271 : vector<16xf32>
          %max3A_274 = arith.maximumf %max3A_259, %min3A_273 : vector<16xf32>
          %add3A_275 = arith.constant 7 : i32
          %add3A_276 = arith.addi %mul3A_172, %add3A_275 : i32
          %get3A_277 = arith.index_cast %add3A_276 : i32 to index
          %get3A_278 = arith.constant 0 : index
          %get3A_279 = tpu.vector_load %arg4[%get3A_277, %get3A_278] {strides = array<i32>} : memref<1792x16xf32, #tpu.memory_space<vmem>>, vector<1x16xf32>,
          %get3A_280 = vector.shape_cast %get3A_279 : vector<1x16xf32> to vector<16xf32>
          %max3A_281 = arith.maximumf %max3A_266, %get3A_280 : vector<16xf32>
          %min3A_282 = arith.minimumf %max3A_266, %get3A_280 : vector<16xf32>
          %max3A_283 = arith.maximumf %max3A_268, %min3A_282 : vector<16xf32>
          %min3A_284 = arith.minimumf %max3A_268, %min3A_282 : vector<16xf32>
          %max3A_285 = arith.maximumf %max3A_270, %min3A_284 : vector<16xf32>
          %min3A_286 = arith.minimumf %max3A_270, %min3A_284 : vector<16xf32>
          %max3A_287 = arith.maximumf %max3A_272, %min3A_286 : vector<16xf32>
          %min3A_288 = arith.minimumf %max3A_272, %min3A_286 : vector<16xf32>
          %max3A_289 = arith.maximumf %max3A_274, %min3A_288 : vector<16xf32>
          scf.yield %max3A_281, %max3A_283, %max3A_285, %max3A_287, %max3A_289 : vector<16xf32>, vector<16xf32>, vector<16xf32>, vector<16xf32>, vector<16xf32>
        }
        %scan3A_146 = arith.constant 224 : i32
        %lt3A_147 = arith.constant 13 : i32
        %lt3A_148 = arith.cmpi slt, %scan3A_134, %lt3A_147 : i32
        %convert_element_type3A_149 = arith.extui %lt3A_148 : i1 to i32
        %cond3A_150 = arith.constant 0 : i32
        %cond3A_151 = arith.cmpi ne, %convert_element_type3A_149, %cond3A_150 : i32
        scf.if %cond3A_151 {
          %mul3A_165 = arith.constant 2 : i32
          %mul3A_166 = arith.muli %mul3A_165, %scan3A_134 : i32
          %add3A_167 = arith.constant 2 : i32
          %add3A_168 = arith.addi %mul3A_166, %add3A_167 : i32
          %mul3A_169 = arith.constant 1792 : i32
          %mul3A_170 = arith.muli %add3A_168, %mul3A_169 : i32
          %add3A_171 = arith.addi %mul3A_104, %mul3A_170 : i32
          %dma_start3A_172 = tpu.memref_slice %arg2[%add3A_171, %mul3A_106] : memref<401408x96xf32, #tpu.memory_space<hbm>> -> memref<1792x16xf32, #tpu.memory_space<hbm>>
          %dma_start3A_173 = tpu.memref_slice %arg2[%add3A_171, %mul3A_106] : memref<401408x96xf32, #tpu.memory_space<hbm>> -> memref<1792x16xf32, #tpu.memory_space<hbm>>
          tpu.enqueue_dma source(%dma_start3A_173 : memref<1792x16xf32, #tpu.memory_space<hbm>>) target(%arg4 : memref<1792x16xf32, #tpu.memory_space<vmem>>) target_semaphore(%arg7 : memref<!tpu.dma_semaphore, #tpu.memory_space<semaphore_mem>>)
        } else {
        }
        %dma_wait3A_152 = tpu.memref_slice %arg2[%mul3A_104, %mul3A_106] : memref<401408x96xf32, #tpu.memory_space<hbm>> -> memref<1792x16xf32, #tpu.memory_space<hbm>>
        %dma_wait3A_153 = tpu.memref_slice %arg2[%mul3A_104, %mul3A_106] : memref<401408x96xf32, #tpu.memory_space<hbm>> -> memref<1792x16xf32, #tpu.memory_space<hbm>>
        tpu.wait_dma2 semaphore(%arg8 : memref<!tpu.dma_semaphore, #tpu.memory_space<semaphore_mem>>) src(%dma_wait3A_153 : memref<1792x16xf32, #tpu.memory_space<hbm>>) dst(%arg5 : memref<1792x16xf32, #tpu.memory_space<vmem>>)
        %scan3A_154 = arith.constant 0 : i32
        %scan3A_155 = arith.constant 224 : i32
        %scan3A_156 = arith.addi %scan3A_154, %scan3A_155 : i32
        %scan3A_157 = arith.constant 1 : i32
        %scan3A_158:5 = scf.for %scan3A_165 = %scan3A_154 to %scan3A_156 step %scan3A_157 iter_args(%scan3A_166 = %scan3A_145#0, %scan3A_167 = %scan3A_145#1, %scan3A_168 = %scan3A_145#2, %scan3A_169 = %scan3A_145#3, %scan3A_170 = %scan3A_145#4) -> (vector<16xf32>, vector<16xf32>, vector<16xf32>, vector<16xf32>, vector<16xf32>)  : i32 {
          %mul3A_171 = arith.constant 8 : i32
          %mul3A_172 = arith.muli %scan3A_165, %mul3A_171 : i32
          %add3A_173 = arith.constant 0 : i32
          %add3A_174 = arith.addi %mul3A_172, %add3A_173 : i32
          %get3A = arith.index_cast %add3A_174 : i32 to index
          %get3A_175 = arith.constant 0 : index
          %get3A_176 = tpu.vector_load %arg5[%get3A, %get3A_175] {strides = array<i32>} : memref<1792x16xf32, #tpu.memory_space<vmem>>, vector<1x16xf32>,
          %get3A_177 = vector.shape_cast %get3A_176 : vector<1x16xf32> to vector<16xf32>
          %max3A = arith.maximumf %scan3A_166, %get3A_177 : vector<16xf32>
          %min3A = arith.minimumf %scan3A_166, %get3A_177 : vector<16xf32>
          %max3A_178 = arith.maximumf %scan3A_167, %min3A : vector<16xf32>
          %min3A_179 = arith.minimumf %scan3A_167, %min3A : vector<16xf32>
          %max3A_180 = arith.maximumf %scan3A_168, %min3A_179 : vector<16xf32>
          %min3A_181 = arith.minimumf %scan3A_168, %min3A_179 : vector<16xf32>
          %max3A_182 = arith.maximumf %scan3A_169, %min3A_181 : vector<16xf32>
          %min3A_183 = arith.minimumf %scan3A_169, %min3A_181 : vector<16xf32>
          %max3A_184 = arith.maximumf %scan3A_170, %min3A_183 : vector<16xf32>
          %add3A_185 = arith.constant 1 : i32
          %add3A_186 = arith.addi %mul3A_172, %add3A_185 : i32
          %get3A_187 = arith.index_cast %add3A_186 : i32 to index
          %get3A_188 = arith.constant 0 : index
          %get3A_189 = tpu.vector_load %arg5[%get3A_187, %get3A_188] {strides = array<i32>} : memref<1792x16xf32, #tpu.memory_space<vmem>>, vector<1x16xf32>,
          %get3A_190 = vector.shape_cast %get3A_189 : vector<1x16xf32> to vector<16xf32>
          %max3A_191 = arith.maximumf %max3A, %get3A_190 : vector<16xf32>
          %min3A_192 = arith.minimumf %max3A, %get3A_190 : vector<16xf32>
          %max3A_193 = arith.maximumf %max3A_178, %min3A_192 : vector<16xf32>
          %min3A_194 = arith.minimumf %max3A_178, %min3A_192 : vector<16xf32>
          %max3A_195 = arith.maximumf %max3A_180, %min3A_194 : vector<16xf32>
          %min3A_196 = arith.minimumf %max3A_180, %min3A_194 : vector<16xf32>
          %max3A_197 = arith.maximumf %max3A_182, %min3A_196 : vector<16xf32>
          %min3A_198 = arith.minimumf %max3A_182, %min3A_196 : vector<16xf32>
          %max3A_199 = arith.maximumf %max3A_184, %min3A_198 : vector<16xf32>
          %add3A_200 = arith.constant 2 : i32
          %add3A_201 = arith.addi %mul3A_172, %add3A_200 : i32
          %get3A_202 = arith.index_cast %add3A_201 : i32 to index
          %get3A_203 = arith.constant 0 : index
          %get3A_204 = tpu.vector_load %arg5[%get3A_202, %get3A_203] {strides = array<i32>} : memref<1792x16xf32, #tpu.memory_space<vmem>>, vector<1x16xf32>,
          %get3A_205 = vector.shape_cast %get3A_204 : vector<1x16xf32> to vector<16xf32>
          %max3A_206 = arith.maximumf %max3A_191, %get3A_205 : vector<16xf32>
          %min3A_207 = arith.minimumf %max3A_191, %get3A_205 : vector<16xf32>
          %max3A_208 = arith.maximumf %max3A_193, %min3A_207 : vector<16xf32>
          %min3A_209 = arith.minimumf %max3A_193, %min3A_207 : vector<16xf32>
          %max3A_210 = arith.maximumf %max3A_195, %min3A_209 : vector<16xf32>
          %min3A_211 = arith.minimumf %max3A_195, %min3A_209 : vector<16xf32>
          %max3A_212 = arith.maximumf %max3A_197, %min3A_211 : vector<16xf32>
          %min3A_213 = arith.minimumf %max3A_197, %min3A_211 : vector<16xf32>
          %max3A_214 = arith.maximumf %max3A_199, %min3A_213 : vector<16xf32>
          %add3A_215 = arith.constant 3 : i32
          %add3A_216 = arith.addi %mul3A_172, %add3A_215 : i32
          %get3A_217 = arith.index_cast %add3A_216 : i32 to index
          %get3A_218 = arith.constant 0 : index
          %get3A_219 = tpu.vector_load %arg5[%get3A_217, %get3A_218] {strides = array<i32>} : memref<1792x16xf32, #tpu.memory_space<vmem>>, vector<1x16xf32>,
          %get3A_220 = vector.shape_cast %get3A_219 : vector<1x16xf32> to vector<16xf32>
          %max3A_221 = arith.maximumf %max3A_206, %get3A_220 : vector<16xf32>
          %min3A_222 = arith.minimumf %max3A_206, %get3A_220 : vector<16xf32>
          %max3A_223 = arith.maximumf %max3A_208, %min3A_222 : vector<16xf32>
          %min3A_224 = arith.minimumf %max3A_208, %min3A_222 : vector<16xf32>
          %max3A_225 = arith.maximumf %max3A_210, %min3A_224 : vector<16xf32>
          %min3A_226 = arith.minimumf %max3A_210, %min3A_224 : vector<16xf32>
          %max3A_227 = arith.maximumf %max3A_212, %min3A_226 : vector<16xf32>
          %min3A_228 = arith.minimumf %max3A_212, %min3A_226 : vector<16xf32>
          %max3A_229 = arith.maximumf %max3A_214, %min3A_228 : vector<16xf32>
          %add3A_230 = arith.constant 4 : i32
          %add3A_231 = arith.addi %mul3A_172, %add3A_230 : i32
          %get3A_232 = arith.index_cast %add3A_231 : i32 to index
          %get3A_233 = arith.constant 0 : index
          %get3A_234 = tpu.vector_load %arg5[%get3A_232, %get3A_233] {strides = array<i32>} : memref<1792x16xf32, #tpu.memory_space<vmem>>, vector<1x16xf32>,
          %get3A_235 = vector.shape_cast %get3A_234 : vector<1x16xf32> to vector<16xf32>
          %max3A_236 = arith.maximumf %max3A_221, %get3A_235 : vector<16xf32>
          %min3A_237 = arith.minimumf %max3A_221, %get3A_235 : vector<16xf32>
          %max3A_238 = arith.maximumf %max3A_223, %min3A_237 : vector<16xf32>
          %min3A_239 = arith.minimumf %max3A_223, %min3A_237 : vector<16xf32>
          %max3A_240 = arith.maximumf %max3A_225, %min3A_239 : vector<16xf32>
          %min3A_241 = arith.minimumf %max3A_225, %min3A_239 : vector<16xf32>
          %max3A_242 = arith.maximumf %max3A_227, %min3A_241 : vector<16xf32>
          %min3A_243 = arith.minimumf %max3A_227, %min3A_241 : vector<16xf32>
          %max3A_244 = arith.maximumf %max3A_229, %min3A_243 : vector<16xf32>
          %add3A_245 = arith.constant 5 : i32
          %add3A_246 = arith.addi %mul3A_172, %add3A_245 : i32
          %get3A_247 = arith.index_cast %add3A_246 : i32 to index
          %get3A_248 = arith.constant 0 : index
          %get3A_249 = tpu.vector_load %arg5[%get3A_247, %get3A_248] {strides = array<i32>} : memref<1792x16xf32, #tpu.memory_space<vmem>>, vector<1x16xf32>,
          %get3A_250 = vector.shape_cast %get3A_249 : vector<1x16xf32> to vector<16xf32>
          %max3A_251 = arith.maximumf %max3A_236, %get3A_250 : vector<16xf32>
          %min3A_252 = arith.minimumf %max3A_236, %get3A_250 : vector<16xf32>
          %max3A_253 = arith.maximumf %max3A_238, %min3A_252 : vector<16xf32>
          %min3A_254 = arith.minimumf %max3A_238, %min3A_252 : vector<16xf32>
          %max3A_255 = arith.maximumf %max3A_240, %min3A_254 : vector<16xf32>
          %min3A_256 = arith.minimumf %max3A_240, %min3A_254 : vector<16xf32>
          %max3A_257 = arith.maximumf %max3A_242, %min3A_256 : vector<16xf32>
          %min3A_258 = arith.minimumf %max3A_242, %min3A_256 : vector<16xf32>
          %max3A_259 = arith.maximumf %max3A_244, %min3A_258 : vector<16xf32>
          %add3A_260 = arith.constant 6 : i32
          %add3A_261 = arith.addi %mul3A_172, %add3A_260 : i32
          %get3A_262 = arith.index_cast %add3A_261 : i32 to index
          %get3A_263 = arith.constant 0 : index
          %get3A_264 = tpu.vector_load %arg5[%get3A_262, %get3A_263] {strides = array<i32>} : memref<1792x16xf32, #tpu.memory_space<vmem>>, vector<1x16xf32>,
          %get3A_265 = vector.shape_cast %get3A_264 : vector<1x16xf32> to vector<16xf32>
          %max3A_266 = arith.maximumf %max3A_251, %get3A_265 : vector<16xf32>
          %min3A_267 = arith.minimumf %max3A_251, %get3A_265 : vector<16xf32>
          %max3A_268 = arith.maximumf %max3A_253, %min3A_267 : vector<16xf32>
          %min3A_269 = arith.minimumf %max3A_253, %min3A_267 : vector<16xf32>
          %max3A_270 = arith.maximumf %max3A_255, %min3A_269 : vector<16xf32>
          %min3A_271 = arith.minimumf %max3A_255, %min3A_269 : vector<16xf32>
          %max3A_272 = arith.maximumf %max3A_257, %min3A_271 : vector<16xf32>
          %min3A_273 = arith.minimumf %max3A_257, %min3A_271 : vector<16xf32>
          %max3A_274 = arith.maximumf %max3A_259, %min3A_273 : vector<16xf32>
          %add3A_275 = arith.constant 7 : i32
          %add3A_276 = arith.addi %mul3A_172, %add3A_275 : i32
          %get3A_277 = arith.index_cast %add3A_276 : i32 to index
          %get3A_278 = arith.constant 0 : index
          %get3A_279 = tpu.vector_load %arg5[%get3A_277, %get3A_278] {strides = array<i32>} : memref<1792x16xf32, #tpu.memory_space<vmem>>, vector<1x16xf32>,
          %get3A_280 = vector.shape_cast %get3A_279 : vector<1x16xf32> to vector<16xf32>
          %max3A_281 = arith.maximumf %max3A_266, %get3A_280 : vector<16xf32>
          %min3A_282 = arith.minimumf %max3A_266, %get3A_280 : vector<16xf32>
          %max3A_283 = arith.maximumf %max3A_268, %min3A_282 : vector<16xf32>
          %min3A_284 = arith.minimumf %max3A_268, %min3A_282 : vector<16xf32>
          %max3A_285 = arith.maximumf %max3A_270, %min3A_284 : vector<16xf32>
          %min3A_286 = arith.minimumf %max3A_270, %min3A_284 : vector<16xf32>
          %max3A_287 = arith.maximumf %max3A_272, %min3A_286 : vector<16xf32>
          %min3A_288 = arith.minimumf %max3A_272, %min3A_286 : vector<16xf32>
          %max3A_289 = arith.maximumf %max3A_274, %min3A_288 : vector<16xf32>
          scf.yield %max3A_281, %max3A_283, %max3A_285, %max3A_287, %max3A_289 : vector<16xf32>, vector<16xf32>, vector<16xf32>, vector<16xf32>, vector<16xf32>
        }
        %scan3A_159 = arith.constant 224 : i32
        %lt3A_160 = arith.constant 13 : i32
        %lt3A_161 = arith.cmpi slt, %scan3A_134, %lt3A_160 : i32
        %convert_element_type3A_162 = arith.extui %lt3A_161 : i1 to i32
        %cond3A_163 = arith.constant 0 : i32
        %cond3A_164 = arith.cmpi ne, %convert_element_type3A_162, %cond3A_163 : i32
        scf.if %cond3A_164 {
          %mul3A_165 = arith.constant 2 : i32
          %mul3A_166 = arith.muli %mul3A_165, %scan3A_134 : i32
          %add3A_167 = arith.constant 3 : i32
          %add3A_168 = arith.addi %mul3A_166, %add3A_167 : i32
          %mul3A_169 = arith.constant 1792 : i32
          %mul3A_170 = arith.muli %add3A_168, %mul3A_169 : i32
          %add3A_171 = arith.addi %mul3A_104, %mul3A_170 : i32
          %dma_start3A_172 = tpu.memref_slice %arg2[%add3A_171, %mul3A_106] : memref<401408x96xf32, #tpu.memory_space<hbm>> -> memref<1792x16xf32, #tpu.memory_space<hbm>>
          %dma_start3A_173 = tpu.memref_slice %arg2[%add3A_171, %mul3A_106] : memref<401408x96xf32, #tpu.memory_space<hbm>> -> memref<1792x16xf32, #tpu.memory_space<hbm>>
          tpu.enqueue_dma source(%dma_start3A_173 : memref<1792x16xf32, #tpu.memory_space<hbm>>) target(%arg5 : memref<1792x16xf32, #tpu.memory_space<vmem>>) target_semaphore(%arg8 : memref<!tpu.dma_semaphore, #tpu.memory_space<semaphore_mem>>)
        } else {
        }
        scf.yield %scan3A_158#0, %scan3A_158#1, %scan3A_158#2, %scan3A_158#3, %scan3A_158#4 : vector<16xf32>, vector<16xf32>, vector<16xf32>, vector<16xf32>, vector<16xf32>
      }
      %scan3A_122 = arith.constant 14 : i32
      %add3A_123 = arith.addf %scan3A_121#0, %scan3A_121#1 : vector<16xf32>
      %add3A_124 = arith.addf %add3A_123, %scan3A_121#2 : vector<16xf32>
      %add3A_125 = arith.addf %add3A_124, %scan3A_121#3 : vector<16xf32>
      %add3A_126 = arith.addf %add3A_125, %scan3A_121#4 : vector<16xf32>
      %mul3A_127 = arith.constant 2.000000e-01 : f32
      %mul3A_128 = vector.broadcast %mul3A_127 : f32 to vector<16xf32>
      %mul3A_129 = arith.mulf %add3A_126, %mul3A_128 : vector<16xf32>
      %swap3A_130 = arith.constant 0 : index
      %swap3A_131 = tpu.vector_load %arg6[%swap3A_130] {strides = array<i32>} : memref<16xf32, #tpu.memory_space<vmem>>, vector<16xf32>,
      %swap3A_132 = vector.shape_cast %swap3A_131 : vector<16xf32> to vector<16xf32>
      %swap3A_133 = vector.shape_cast %mul3A_129 : vector<16xf32> to vector<16xf32>
      tpu.vector_store %arg6[%swap3A_130], %swap3A_133 {strides = array<i32>} : memref<16xf32, #tpu.memory_space<vmem>>, vector<16xf32>,
      "tpu.region"() ({
        %run_scoped3A = tpu.sem_alloc : memref<!tpu.dma_semaphore, #tpu.memory_space<semaphore_mem>>
        %dma_start3A_134 = tpu.memref_slice %arg3[%select_n3A_86, %mul3A_106] : memref<8x96xf32, #tpu.memory_space<hbm>> -> memref<1x16xf32, #tpu.memory_space<hbm>>
        %dma_start3A_135 = tpu.memref_squeeze %dma_start3A_134 : memref<1x16xf32, #tpu.memory_space<hbm>> -> memref<16xf32, #tpu.memory_space<hbm>>
        %dma_start3A_136 = tpu.memref_slice %arg3[%select_n3A_86, %mul3A_106] : memref<8x96xf32, #tpu.memory_space<hbm>> -> memref<1x16xf32, #tpu.memory_space<hbm>>
        %dma_start3A_137 = tpu.memref_squeeze %dma_start3A_136 : memref<1x16xf32, #tpu.memory_space<hbm>> -> memref<16xf32, #tpu.memory_space<hbm>>
        tpu.enqueue_dma source(%arg6 : memref<16xf32, #tpu.memory_space<vmem>>) target(%dma_start3A_137 : memref<16xf32, #tpu.memory_space<hbm>>) target_semaphore(%run_scoped3A : memref<!tpu.dma_semaphore, #tpu.memory_space<semaphore_mem>>)
        %dma_wait3A = tpu.memref_slice %arg3[%select_n3A_86, %mul3A_106] : memref<8x96xf32, #tpu.memory_space<hbm>> -> memref<1x16xf32, #tpu.memory_space<hbm>>
        %dma_wait3A_138 = tpu.memref_squeeze %dma_wait3A : memref<1x16xf32, #tpu.memory_space<hbm>> -> memref<16xf32, #tpu.memory_space<hbm>>
        %dma_wait3A_139 = tpu.memref_slice %arg3[%select_n3A_86, %mul3A_106] : memref<8x96xf32, #tpu.memory_space<hbm>> -> memref<1x16xf32, #tpu.memory_space<hbm>>
        %dma_wait3A_140 = tpu.memref_squeeze %dma_wait3A_139 : memref<1x16xf32, #tpu.memory_space<hbm>> -> memref<16xf32, #tpu.memory_space<hbm>>
        tpu.wait_dma2 semaphore(%run_scoped3A : memref<!tpu.dma_semaphore, #tpu.memory_space<semaphore_mem>>) src(%arg6 : memref<16xf32, #tpu.memory_space<vmem>>) dst(%dma_wait3A_140 : memref<16xf32, #tpu.memory_space<hbm>>)
        tpu.yield
      }) : () -> ()
    } else {
    }
    return
  }
}

</mosaic_0001>

<sc_bundles>
// kernel: _run.3.cloned.1.call-start
scs
__scs_entry_jumppad:
0x0: {  	(pc) =	sbr.rel $0x88, $3  }
0x1: {  	(tag) =	ssettag $0x0;
	lr =	simm.s32 $0x1  }
0x2: {  	[smem:$0x3FA0] =	sst lr;
	_ =	strace $0xD0000000  }
0x3: {  	_ = 	snop  }
0x4: {  	_ = 	snop  }
0x5: {  	_ = 	snop  }
0x6: {  	_ = 	snop  }
0x7: {  	_ = 	snop  }
__scs_overlays_trampoline_lowered:
0x8: {  	[smem:$0x3FAF] =	sst s0  }
0x9: {  	[smem:$0x3FB0] =	sst s1  }
0xa: {  	[smem:$0x3FB1] =	sst s2  }
0xb: {  	[smem:$0x3FB2] =	sst s3  }
0xc: {  	[smem:$0x3FB3] =	sst s4  }
0xd: {  	[smem:$0x3FB4] =	sst s5  }
0xe: {  	[smem:$0x3FB5] =	sst s6  }
0xf: {  	[smem:$0x3FB6] =	sst s7  }
0x10: {  	[smem:$0x3FB7] =	sst s8  }
0x11: {  	[smem:$0x3FB8] =	sst s9;
	s0 =	simm.s32 @!p0 $0x0  }
0x12: {  	s1 =	sld [smem:$0x3F9E];
	s0 =	simm.s32 @p0 $0x1  }
0x13: {  	[smem:$0x3FB9] =	sst s0;
	s0 =	simm.s32 @!p1 $0x0  }
0x14: {  	s2 =	sld [smem:$0x3F9D];
	s0 =	simm.s32 @p1 $0x1  }
0x15: {  	[smem:$0x3FBA] =	sst s0;
	s0 =	simm.s32 @!p2 $0x0  }
0x16: {  	s3 =	sld [smem:$0x3FDB];
	s0 =	simm.s32 @p2 $0x1  }
0x17: {  	s4 =	simm.s32 $0x1BF5;
	[smem:$0x3FBC] =	sst s0  }
0x18: {  	s0 =	sld [smem:$0x3F9F];
	_ =	swait.ge [sflag:s4], $0x0  }
0x19: {  	s7 =	sld [smem:$0x3FA0]  }
0x1a: {  	s8 =	sadd.s32 $0xFFFFE003, lr  }
0x1b: {  	s9 =	sadd.s32 $0xFFFFFEF7, lr;
	s5 =	simm.s32 $0xFFFFFFFF;
	p2 =	slt.u32 s8, $0xFFFFF086  }
0x1c: {  	p1 =	slt.u32 s9, $0xF7A;
	s5 =	simm.s32 @!p2 $0x0  }
0x1d: {  	s5 =	simm.s32 @p1 $0x1;
	p0 =	seq.s32 s7, s2  }
0x1e: {  	s7 =	smul.u32 @!p0 $0xF7A, s2;
	p2 =	seq.s32 @!p0 s5, $0x0  }
0x1f: {  	s9 =	smul.u32 $0xF7A, s1;
	s8 =	simm.s32 @!p0 $0x1BF5;
	p2 =	por !p2, p0  }
0x20: {  	[sflag:s8] =	ssyncset.s32 @!p0 $0xFFFFF086;
	s6 =	sadd.s32 @!p0 s3, s7;
	s7 =	simm.s32 @!p0 $0x108  }
0x21: {  	s3 =	sadd.s32 s3, s9;
	s6 =	sadd.s32 @!p0 $0x88, s6;
	s7 =	simm.s32 @p2 $0x1082  }
0x22: {  	[simem:s7], [sflag:s8] =	dma.local @!p0 [hbm:s6], $0xF7A  }
0x23: {  	s9 =	sor.u32 $0xD0000000, s2;
	s6 =	simm.s32 $0x108;
	_ =	swait.ge @!p0 [sflag:s8], $0x0  }
0x24: {  	s3 =	sadd.s32 $0x88, s3;
	s6 =	simm.s32 @!p1 $0x1082;
	[sflag:s4] =	ssyncset.s32 $0xFFFFF086  }
0x25: {  	[simem:s6], [sflag:s4] =	dma.local [hbm:s3], $0xF7A  }
0x26: {  	[smem:$0x3FA0] =	sst s1;
	(tag) =	ssettag s2;
	_ =	strace s9  }
0x27: {  	s1 =	sld [smem:$0x3FB0]  }
0x28: {  	s2 =	sld [smem:$0x3FB1]  }
0x29: {  	s4 =	sld [smem:$0x3FB3]  }
0x2a: {  	p0 =	seq.s32 s5, $0x0;
	s5 =	sld [smem:$0x3FB4]  }
0x2b: {  	s6 =	sld [smem:$0x3FB5]  }
0x2c: {  	s7 =	sld [smem:$0x3FB6]  }
0x2d: {  	s3 =	simm.s32 $0x108;
	s8 =	sld [smem:$0x3FB7]  }
0x2e: {  	s3 =	simm.s32 @!p0 $0x1082;
	s9 =	sld [smem:$0x3FB8]  }
0x2f: {  	lr =	sadd.s32 s0, s3;
	s0 =	sld [smem:$0x3FAF]  }
0x30: {  	s3 =	sld [smem:$0x3FB2]  }
0x31: {  	[smem:$0x3FBB] =	sst s10  }
0x32: {  	s10 =	sld [smem:$0x3FB9];
	_ =	sdelay $0x3  }
0x33: {  	p0 =	seq.s32 s10, $0x1;
	s10 =	sld [smem:$0x3FBB];
	_ =	sdelay $0x3  }
0x34: {  	[smem:$0x3FBB] =	sst s10  }
0x35: {  	s10 =	sld [smem:$0x3FBA];
	_ =	sdelay $0x3  }
0x36: {  	p1 =	seq.s32 s10, $0x1;
	s10 =	sld [smem:$0x3FBB];
	_ =	sdelay $0x3  }
0x37: {  	[smem:$0x3FBB] =	sst s10  }
0x38: {  	s10 =	sld [smem:$0x3FBC]  }
0x39: {  	_ = 	snop;
	(pc) =	sbr.ind lr, $3  }
0x3a: {  	_ = 	snop  }
0x3b: {  	_ = 	snop  }
0x3c: {  	p2 =	seq.s32 s10, $0x1;
	s10 =	sld [smem:$0x3FBB]  }
0x3d: {  	_ =	shalt  }
0x3e: {  	_ =	shalt  }
0x3f: {  	_ =	shalt  }
0x40: {  	_ =	shalt  }
0x41: {  	_ =	shalt  }
0x42: {  	_ =	shalt  }
0x43: {  	_ =	shalt  }
0x44: {  	_ =	shalt  }
0x45: {  	_ =	shalt  }
0x46: {  	_ =	shalt  }
0x47: {  	_ =	shalt  }
0x48: {  	_ =	shalt  }
0x49: {  	_ =	shalt  }
0x4a: {  	_ =	shalt  }
0x4b: {  	_ =	shalt  }
0x4c: {  	_ =	shalt  }
0x4d: {  	_ =	shalt  }
0x4e: {  	_ =	shalt  }
0x4f: {  	_ =	shalt  }
0x50: {  	_ =	shalt  }
0x51: {  	_ =	shalt  }
0x52: {  	_ =	shalt  }
0x53: {  	_ =	shalt  }
0x54: {  	_ =	shalt  }
0x55: {  	_ =	shalt  }
0x56: {  	_ =	shalt  }
0x57: {  	_ =	shalt  }
0x58: {  	_ =	shalt  }
0x59: {  	_ =	shalt  }
0x5a: {  	_ =	shalt  }
0x5b: {  	_ =	shalt  }
0x5c: {  	_ =	shalt  }
0x5d: {  	_ =	shalt  }
0x5e: {  	_ =	shalt  }
0x5f: {  	_ =	shalt  }
0x60: {  	_ =	shalt  }
0x61: {  	_ =	shalt  }
0x62: {  	_ =	shalt  }
0x63: {  	_ =	shalt  }
0x64: {  	_ =	shalt  }
0x65: {  	_ =	shalt  }
0x66: {  	_ =	shalt  }
0x67: {  	_ =	shalt  }
0x68: {  	_ =	shalt  }
0x69: {  	_ =	shalt  }
0x6a: {  	_ =	shalt  }
0x6b: {  	_ =	shalt  }
0x6c: {  	_ =	shalt  }
0x6d: {  	_ =	shalt  }
0x6e: {  	_ =	shalt  }
0x6f: {  	_ =	shalt  }
0x70: {  	_ =	shalt  }
0x71: {  	_ =	shalt  }
0x72: {  	_ =	shalt  }
0x73: {  	_ =	shalt  }
0x74: {  	_ =	shalt  }
0x75: {  	_ =	shalt  }
0x76: {  	_ =	shalt  }
0x77: {  	_ =	shalt  }
0x78: {  	_ =	shalt  }
0x79: {  	_ =	shalt  }
0x7a: {  	_ =	shalt  }
0x7b: {  	_ =	shalt  }
0x7c: {  	_ =	shalt  }
0x7d: {  	_ =	shalt  }
0x7e: {  	_ =	shalt  }
0x7f: {  	_ =	shalt  }
0x80: {  	_ =	shalt  }
0x81: {  	_ =	shalt  }
0x82: {  	_ =	shalt  }
0x83: {  	_ =	shalt  }
0x84: {  	_ =	shalt  }
0x85: {  	_ =	shalt  }
0x86: {  	_ =	shalt  }
0x87: {  	_ =	shalt  }
.Lfunc_end0:
.L_simem_size_0:
called_computation_lowered:
.L_overlay_start_0:
0x88: {  	s2 =	sld [smem:$0x3FD9]  }
0x89: {  	s3 =	sld [smem:$0x3FFE];
	_ =	sdelay $0x1  }
0x8a: {  	s1 =	srdreg.scid  }
0x8b: {  	s0 =	sand.u32 $0x1, s1  }
0x8c: {  	s16 =	sshll.u32 s0, $0xA;
	s2 =	sadd.s32 s3, s2  }
0x8d: {  	s2 =	sadd.s32 s2, s16  }
0x8e: {  	[smem:$0x3FC7] =	sst s2  }
0x8f: {  	_ = 	snop  }
0x90: {  	(tm) =	ssettm $0x1  }
0x91: {  	s17 =	sld [smem:$0x3FFB];
	_ =	sdelay $0x3  }
0x92: {  	_ =	strace s17  }
0x93: {  	s2 =	sld [smem:$0x3FFC];
	_ =	sdelay $0x3  }
0x94: {  	_ =	strace s2  }
0x95: {  	s2 =	sld [smem:$0x3FFD];
	_ =	sdelay $0x3  }
0x96: {  	_ =	strace s2  }
0x97: {  	_ =	strace $0x8FFFFFFF  }
0x98: {  	s18 =	sld [smem:$0x3FDB];
	_ =	sdelay $0x1  }
0x99: {  	s19 =	simm.s32 $_scs_section_size  }
0x9a: {  	s4 =	simm.s32 $_size__tile_overlayer_lowered;
	s5 =	simm.s32 $_tile_overlayer_lowered  }
0x9b: {  	s22 =	simm.s32 $0x1BFF;
	s21 =	sshll.u32 s5, $0x1;
	s2 =	sadd.s32 s19, s18  }
0x9c: {  	s6 =	simm.s32 $0x0;
	s20 =	sshll.u32 s4, $0x1;
	s4 =	sadd.s32 s21, s2  }
0x9d: {  	[timem:s6], [sflag:s22] =	dma.local [hbm:s4], s20  }
0x9e: {  	_ =	swait.ge [sflag:s22], s20  }
0x9f: {  	s3 =	ssub.s32 $0x0, s20;
	[sflag:s22] =	ssyncset.done $0x0  }
0xa0: {  	[sflag:s22] =	ssyncadd.s32 s3;
	_ =	sdelay $0x1  }
0xa1: {  	s23 =	simm.s32 $0x1B8B  }
0xa2: {  	_ =	swait.ge [sflag:s23], $0x1  }
0xa3: {  	[sflag:s23] =	ssyncset.done $0x0  }
0xa4: {  	s25 =	simm.s32 $0x1B8E;
	s24 =	sld [smem:$0x3FFE];
	[sflag:s23] =	ssyncadd.s32 $0xFFFFFFFF  }
0xa5: {  	s26 =	simm.s32 $execute0_lowered;
	[smem:$0x3FD2] =	sst s25  }
0xa6: {  	s4 =	sshll.u32 s26, $0x1;
	_ =	strace $0x80000046;
	[dreg:$0x1] =	wrdreg $0xFFFFFFFF  }
0xa7: {  	s28 =	simm.s32 $_size_execute0_lowered;
	s2 =	sadd.s32 s2, s4;
	[dreg:$0x0] =	wrdreg $0x0  }
0xa8: {  	s4 =	sshll.u32 s28, $0x1;
	[dreg:$0x2] =	wrdreg s2  }
0xa9: {  	[dreg:$0x3] =	wrdreg s4  }
0xaa: {  	[dreg:$0x4] =	wrdreg $0xC0  }
0xab: {  	_ =	task [dreg:s6], $0x5FFFF  }
0xac: {  	[dreg:$0x1] =	wrdreg $0xFFFFFFFF  }
0xad: {  	[dreg:$0x0] =	wrdreg $0x60  }
0xae: {  	[dreg:$0x2] =	wrdreg s24  }
0xaf: {  	[dreg:$0x3] =	wrdreg $0x9  }
0xb0: {  	_ =	task.clear_ibuf [dreg:s6], $0x4FFFF;
	_ =	strace $0x90000046  }
0xb1: {  	s29 =	simm.s32 $0x9;
	_ =	strace $0x80000048  }
0xb2: {  	_ =	swait.ge [sflag:s29], $0x1  }
0xb3: {  	[sflag:s29] =	ssyncadd.s32 $0xFFFFFFFF  }
0xb4: {  	_ =	strace $0x90000048  }
0xb5: {  	_ =	sfence  }
0xb6: {  	s30 =	sld [smem:$0x0];
	_ =	sdelay $0x2  }
0xb7: {  	s31 =	sshll.u32 s1, $0xD;
	s1 =	sshrl.u32 s1, $0x2  }
0xb8: {  	s3 =	sand.u32 $0x4000, s31;
	s1 =	sadd.s32 s1, s30  }
0xb9: {  	s0 =	sor.u32 s3, s0;
	s1 =	sshll.u32 s1, $0x11  }
0xba: {  	s0 =	sor.u32 s1, s0  }
0xbb: {  	s0 =	sadd.s32 $0x8F2B, s0  }
0xbc: {  	[sflag:s0] =	ssyncadd.remote.s32 $0x1  }
0xbd: {  	_ =	sfence.sel $0xFFFF  }
0xbe: {  	[dreg:$0x0] =	wrdreg $0xFFFFFFFF;
	(pc) =	sbr.abs _section_cstart, $3  }
0xbf: {  	[dreg:$0x1] =	wrdreg $0xFFFFFFFF  }
0xc0: {  	_ =	task.clear_ibuf [dreg:s6], $0x2FFFF;
	_ =	strace $0x9FFFFFFF  }
0xc1: {  	(tm) =	ssettm $0x7FFFFFFF  }
tec
execute0_lowered:
.L_overlay_start_1:
0x0: {  	(tag) =	ssettag $0x1  }
0x1: {  	s1 =	srdreg.scid;
	s0 =	stileid.u32  }
0x2: {  	s4 =	sand.u32 $0x1, s1;
	s19 =	sshll.u32 s0, $0x1;
	s6 =	smul.u32 $0x56, s0  }
0x3: {  	s8 =	sor.u32 s4, s19  }
0x4: {  	s5 =	rddreg [dreg:$0x0];
	s3 =	smul.u32 $0x2B, s8;
	s6 =	sshrl.u32 s6, $0x8  }
0x5: {  	s2 =	simm.s32 $0x0;
	s10 =	sor.u32 $0x20, s8;
	s9 =	smul.u32 $0x498000, s6  }
0x6: {  	s18 =	simm.s32 $0x60;
	s1 =	rddreg [dreg:$0x1];
	s10 =	smul.u32 $0x2B, s10  }
0x7: {  	[smem:$0x7FF] =	sst s2;
	s15 =	sadd.s32 $0x400, s5;
	s20 =	smul.u32 $0xC400, s6  }
0x8: {  	p0 =	sgt.u32 s0, $0x7;
	s24 =	smul.u32 $0x60, s6;
	s3 =	sshrl.u32 s3, $0x8  }
0x9: {  	s4 =	ssub.s32 $0x2, s4;
	s7 =	smul.u32 $0x6, s3;
	s12 =	sshrl.u32 s10, $0x8  }
0xa: {  	_ =	strace $0x80000047;
	s11 =	sshrl.u32 s4, $0x1;
	s10 =	smul.u32 $0x6, s12  }
0xb: {  	s19 =	simm.s32 $0x7000;
	s16 =	ssub.s32 s4, s11;
	s13 =	smul.u32 $0x498000, s12  }
0xc: {  	s16 =	smax.u32 s16, $0x1;
	s28 =	smul.u32 $0x60, s12;
	s7 =	ssub.s32 s8, s7  }
0xd: {  	s3 =	sadd.s32 $0x620400, s5;
	s14 =	smul.u32 $0xC400, s12;
	s7 =	sshll.u32 s7, $0x4  }
0xe: {  	s8 =	ssub.s32 s8, s10;
	s4 =	sand.u32 $0xF0, s7;
	s7 =	sadd.s32 $0xE00, s20  }
0xf: {  	s10 =	sshll.u32 s8, $0x4;
	s8 =	sadd.s32 $0x1500, s20;
	s21 =	sor.u32 s4, s9  }
0x10: {  	s20 =	simm.s32 $0x1;
	s22 =	sshrl.u32 s21, $0x3;
	s9 =	sadd.s32 $0x2A000, s21  }
0x11: {  	s21 =	simm.s32 $0x2;
	s5 =	sadd.s32 s3, s22;
	s23 =	sshrl.u32 s9, $0x3  }
0x12: {  	s9 =	sadd.s32 s4, s24;
	s22 =	simm.s32 $0xE000;
	s24 =	simm.s32 $0x0  }
0x13: {  	s6 =	sadd.s32 s3, s23;
	s25 =	sshrl.u32 s9, $0x3;
	s9 =	sand.u32 $0xF0, s10  }
.Ltmp0:
0x14: {  	s23 =	simm.s32 $0x3;
	s10 =	sadd.s32 s15, s25;
	(pc) =	sbr.rel .LBB2_1-.Ltmp0, $4  }
0x15: {  	s26 =	sor.u32 s9, s13;
	s31 =	sadd.s32 s9, s28;
	s13 =	sadd.s32 $0xE00, s14  }
0x16: {  	s14 =	sadd.s32 $0x1500, s14;
	s29 =	sshrl.u32 s26, $0x3;
	s17 =	sadd.s32 $0x2A000, s26  }
0x17: {  	s11 =	sadd.s32 s3, s29;
	s30 =	sshrl.u32 s17, $0x3;
	s17 =	sshrl.u32 s31, $0x3  }
0x18: {  	s12 =	sadd.s32 s3, s30;
	s15 =	sadd.s32 s15, s17;
	s17 =	simm.s32 $0x10  }
.LBB2_16:
0x19: {  	v3 =	vadd.f32 v3, v7;
	_ =	sdelay $0x1  }
0x1a: {  	v2 =	vadd.f32 v2, v3;
	_ =	sdelay $0x1  }
0x1b: {  	v1 =	vadd.f32 v1, v2;
	_ =	sdelay $0x1  }
0x1c: {  	v0 =	vadd.f32 v0, v1;
	_ =	sdelay $0x1  }
0x1d: {  	v0 =	vmul.f32 $2.000000030e-01, v0;
	_ =	sdelay $0x1  }
0x1e: {  	[tilespmem:$0xE000] =	vst v0  }
0x1f: {  	[hbm4b:s15+s2] =	stream.linear.scatter [tilespmem:s22], [sflag:$0x3], $0x10, $0x38;
	[tilespmem:$0xE010] =	vst v63  }
0x20: {  	_ =	swait.ge [sflag:s23], $0x10  }
0x21: {  	[sflag:s23] =	ssyncset.done $0x0  }
0x22: {  	[sflag:s23] =	ssyncadd.s32 $0xFFFFFFF0  }
.LBB2_17:
0x23: {  	s24 =	sadd.s32 $0x1, s24  }
0x24: {  	p1 =	sne.s32 s24, s16  }
.Ltmp1:
0x25: {  	_ = 	snop;
	(pc) =	sbr.rel @!p1 .LBB2_18-.Ltmp1, $1  }
0x26: {  	_ =	sdelay $0x3  }
.LBB2_1:
0x27: {  	[tilespmem:s2], [sflag:$0x1] =	stream.strided.gather [hbm4b:s5+s17], $0x7000, s18, s17, $0x38;
	[tilespmem:$0xE010] =	vst v63  }
0x28: {  	v0 =	vimm.f32 $-Inf;
	v1 =	vimm.f32 $-Inf;
	s25 =	simm.s32 $0x0  }
0x29: {  	v2 =	vimm.f32 $-Inf;
	v3 =	vimm.f32 $-Inf;
	v7 =	vimm.f32 $-Inf;
	[tilespmem:s19], [sflag:$0x2] =	stream.strided.gather [hbm4b:s6+s17], $0x7000, s18, s17, $0x38;
	[tilespmem:$0xE010] =	vst v63  }
.LBB2_2:
0x2a: {  	_ =	swait.ge [sflag:s20], $0x7000  }
0x2b: {  	[sflag:s20] =	ssyncset.done $0x0  }
0x2c: {  	s28 =	simm.s32 $0x0;
	[sflag:s20] =	ssyncadd.s32 $0xFFFF9000  }
0x2d: {  	v4 =	vld [tilespmem:s28+$0x0]  }
0x2e: {  	v6 =	vld [tilespmem:s28+$0x10];
	_ =	sdelay $0x2  }
0x2f: {  	v8 =	vld [tilespmem:s28+$0x20]  }
0x30: {  	v9 =	vmax.f32 v7, v4;
	v4 =	vmin.f32 v7, v4  }
0x31: {  	v7 =	vld [tilespmem:s28+$0x30];
	v5 =	vmax.f32 v3, v4;
	v10 =	vmin.f32 v9, v6  }
0x32: {  	v3 =	vmin.f32 v3, v4;
	v4 =	vmax.f32 v5, v10;
	v10 =	vmin.f32 v5, v10  }
0x33: {  	v11 =	vld [tilespmem:s28+$0x40];
	v12 =	vmax.f32 v2, v3;
	v5 =	vmin.f32 v2, v3;
	v2 =	vmax.f32 v9, v6  }
0x34: {  	v9 =	vmax.f32 v2, v8;
	v2 =	vmin.f32 v2, v8  }
0x35: {  	v8 =	vmax.f32 v12, v10;
	v6 =	vmin.f32 v12, v10;
	v10 =	vmin.f32 v4, v2  }
0x36: {  	v3 =	vld [tilespmem:s28+$0x50];
	v2 =	vmax.f32 v4, v2;
	v12 =	vmax.f32 v9, v7;
	v9 =	vmin.f32 v9, v7  }
0x37: {  	v14 =	vld [tilespmem:s28+$0x60];
	v13 =	vmax.f32 v8, v10;
	v7 =	vmin.f32 v8, v10;
	v4 =	vmax.f32 v2, v9  }
0x38: {  	v8 =	vmax.f32 v12, v11;
	v2 =	vmin.f32 v2, v9;
	v10 =	vmin.f32 v12, v11  }
0x39: {  	v11 =	vmax.f32 v13, v2;
	v9 =	vmin.f32 v13, v2;
	v2 =	vmin.f32 v4, v10  }
0x3a: {  	v4 =	vmax.f32 v4, v10;
	v16 =	vmax.f32 v11, v2;
	v10 =	vmin.f32 v11, v2;
	v11 =	vld [tilespmem:s28+$0x70]  }
0x3b: {  	v15 =	vmax.f32 v8, v3;
	v3 =	vmin.f32 v8, v3  }
0x3c: {  	v12 =	vmax.f32 v4, v3;
	v3 =	vmin.f32 v4, v3;
	v13 =	vmin.f32 v15, v14  }
0x3d: {  	v2 =	vmax.f32 v16, v3;
	v4 =	vmin.f32 v12, v13  }
0x3e: {  	s26 =	simm.s32 $0x200;
	v14 =	vmax.f32 v15, v14;
	v8 =	vmin.f32 v16, v3;
	v3 =	vmax.f32 v2, v4  }
.LBB2_3:
0x3f: {  	s28 =	sshra.s32 s26, $0x2;
	p1 =	sne.s32 s26, $0x1BE00;
	s26 =	sadd.s32 $0x200, s26;
	v15 =	vmax.f32 v1, v5;
	v1 =	vmin.f32 v1, v5;
	v5 =	vmax.f32 v14, v11  }
0x40: {  	v12 =	vmax.f32 v12, v13;
	v16 =	vld [tilespmem:s28+$0x0];
	v17 =	vmax.f32 v15, v6;
	v6 =	vmin.f32 v15, v6  }
0x41: {  	v11 =	vmin.f32 v14, v11;
	v0 =	vmax.f32 v0, v1;
	v13 =	vld [tilespmem:s28+$0x10];
	v1 =	vmax.f32 v17, v7  }
0x42: {  	v15 =	vmax.f32 v12, v11;
	v11 =	vmin.f32 v12, v11;
	v14 =	vmax.f32 v1, v9  }
0x43: {  	v7 =	vmin.f32 v17, v7;
	v18 =	vmax.f32 v3, v11;
	v12 =	vld [tilespmem:s28+$0x20];
	v17 =	vmin.f32 v14, v10  }
0x44: {  	v0 =	vmax.f32 v0, v6;
	v1 =	vmin.f32 v1, v9;
	v6 =	vmax.f32 v14, v10  }
0x45: {  	v0 =	vmax.f32 v0, v7;
	v9 =	vmax.f32 v5, v16;
	v5 =	vmin.f32 v5, v16;
	v10 =	vld [tilespmem:s28+$0x30]  }
0x46: {  	v0 =	vmax.f32 v0, v1;
	v7 =	vmax.f32 v15, v5;
	v5 =	vmin.f32 v15, v5  }
0x47: {  	v0 =	vmax.f32 v0, v17;
	v14 =	vmax.f32 v6, v8;
	v1 =	vmin.f32 v9, v13  }
0x48: {  	v6 =	vmin.f32 v6, v8;
	v15 =	vmax.f32 v7, v1;
	v1 =	vmin.f32 v7, v1  }
0x49: {  	v8 =	vmax.f32 v9, v13;
	v7 =	vmax.f32 v18, v5;
	v5 =	vmin.f32 v18, v5  }
0x4a: {  	v0 =	vmax.f32 v0, v6;
	v9 =	vmax.f32 v8, v12;
	v8 =	vmin.f32 v8, v12  }
0x4b: {  	v12 =	vmax.f32 v7, v1;
	v6 =	vmin.f32 v7, v1;
	v1 =	vmin.f32 v2, v4;
	v13 =	vld [tilespmem:s28+$0x40]  }
0x4c: {  	v3 =	vmin.f32 v3, v11;
	v2 =	vmin.f32 v15, v8;
	v4 =	vmax.f32 v9, v10;
	v16 =	vld [tilespmem:s28+$0x50]  }
0x4d: {  	v7 =	vmin.f32 v14, v1;
	v11 =	vmax.f32 v12, v2;
	v9 =	vmin.f32 v9, v10  }
0x4e: {  	v8 =	vmax.f32 v15, v8;
	v10 =	vmax.f32 v14, v1;
	v0 =	vmax.f32 v0, v7  }
0x4f: {  	v7 =	vmin.f32 v12, v2;
	v2 =	vmax.f32 v8, v9;
	v8 =	vmin.f32 v8, v9;
	v14 =	vld [tilespmem:s28+$0x60]  }
0x50: {  	v1 =	vmax.f32 v10, v3;
	v3 =	vmin.f32 v10, v3;
	v12 =	vmax.f32 v4, v13  }
0x51: {  	v0 =	vmax.f32 v0, v3;
	v4 =	vmin.f32 v4, v13;
	v15 =	vmax.f32 v12, v16  }
.Ltmp2:
0x52: {  	v3 =	vmax.f32 v11, v8;
	v9 =	vmin.f32 v11, v8;
	v8 =	vmin.f32 v2, v4;
	v11 =	vld [tilespmem:s28+$0x70];
	(pc) =	sbr.rel @p1 .LBB2_3-.Ltmp2, $4  }
0x53: {  	v2 =	vmax.f32 v2, v4;
	v4 =	vmin.f32 v12, v16;
	v17 =	vmax.f32 v3, v8  }
0x54: {  	v12 =	vmax.f32 v2, v4;
	v16 =	vmin.f32 v2, v4;
	v13 =	vmin.f32 v15, v14  }
0x55: {  	v10 =	vmin.f32 v3, v8;
	v2 =	vmax.f32 v17, v16;
	v4 =	vmin.f32 v12, v13  }
0x56: {  	v8 =	vmin.f32 v17, v16;
	v14 =	vmax.f32 v15, v14;
	v3 =	vmax.f32 v2, v4  }
0x57: {  	p1 =	seq.s32 s25, $0xD  }
0x58: {  	s26 =	smul.u32 @!p1 $0xE00, s25;
	_ =	sdelay $0x1  }
0x59: {  	s26 =	sadd.s32 @!p1 s26, s7  }
0x5a: {  	s26 =	smul.u32 @!p1 $0x60, s26;
	_ =	sdelay $0x1  }
0x5b: {  	s26 =	sor.u32 @!p1 s4, s26  }
0x5c: {  	s28 =	simm.s32 @!p1 $0x10;
	s26 =	sshrl.u32 @!p1 s26, $0x3  }
0x5d: {  	v15 =	vmax.f32 v1, v5;
	v1 =	vmin.f32 v1, v5;
	v5 =	vmax.f32 v14, v11;
	s29 =	simm.s32 @!p1 $0x60;
	s30 =	simm.s32 @!p1 $0x0;
	s26 =	sadd.s32 @!p1 s3, s26  }
0x5e: {  	v12 =	vmax.f32 v12, v13;
	v11 =	vmin.f32 v14, v11;
	v2 =	vmin.f32 v2, v4;
	[tilespmem:s30], [sflag:$0x1] =	stream.strided.gather @!p1 [hbm4b:s26+s28], $0x7000, s29, s28, $0x38;
	[tilespmem:$0xE010] =	vst v63  }
0x5f: {  	v16 =	vmax.f32 v15, v6;
	v6 =	vmin.f32 v15, v6;
	v0 =	vmax.f32 v0, v1;
	_ =	swait.ge [sflag:s21], $0x7000  }
0x60: {  	v1 =	vmax.f32 v16, v7;
	v7 =	vmin.f32 v16, v7;
	v0 =	vmax.f32 v0, v6;
	[sflag:s21] =	ssyncset.done $0x0  }
0x61: {  	s31 =	simm.s32 $0x0;
	v13 =	vmax.f32 v1, v9;
	v1 =	vmin.f32 v1, v9;
	v0 =	vmax.f32 v0, v7;
	[sflag:s21] =	ssyncadd.s32 $0xFFFF9000  }
0x62: {  	v14 =	vmax.f32 v12, v11;
	v9 =	vmin.f32 v12, v11;
	v0 =	vmax.f32 v0, v1;
	v1 =	vld [tilespmem:s31+$0x7000]  }
0x63: {  	v6 =	vmin.f32 v13, v10;
	v7 =	vmax.f32 v13, v10;
	v4 =	vmin.f32 v3, v9;
	v10 =	vld [tilespmem:s31+$0x7010]  }
0x64: {  	v0 =	vmax.f32 v0, v6;
	v6 =	vmin.f32 v7, v8;
	v7 =	vmax.f32 v7, v8  }
0x65: {  	v0 =	vmax.f32 v0, v6;
	v6 =	vmin.f32 v7, v2;
	v2 =	vmax.f32 v7, v2  }
0x66: {  	v3 =	vmax.f32 v3, v9;
	v0 =	vmax.f32 v0, v6;
	v7 =	vmax.f32 v2, v4;
	v8 =	vld [tilespmem:s31+$0x7020]  }
0x67: {  	v2 =	vmin.f32 v2, v4;
	v4 =	vmax.f32 v5, v1;
	v1 =	vmin.f32 v5, v1  }
0x68: {  	v6 =	vmax.f32 v0, v2;
	v5 =	vld [tilespmem:s31+$0x7030];
	v0 =	vmax.f32 v14, v1;
	v2 =	vmin.f32 v4, v10  }
0x69: {  	v1 =	vmin.f32 v14, v1;
	v9 =	vmax.f32 v0, v2;
	v2 =	vmin.f32 v0, v2  }
0x6a: {  	v11 =	vld [tilespmem:s31+$0x7040];
	v12 =	vmax.f32 v3, v1;
	v0 =	vmin.f32 v3, v1;
	v1 =	vmax.f32 v4, v10  }
0x6b: {  	v3 =	vld [tilespmem:s31+$0x7050];
	v4 =	vmax.f32 v1, v8  }
0x6c: {  	v1 =	vmin.f32 v1, v8;
	v8 =	vmax.f32 v12, v2;
	v2 =	vmin.f32 v12, v2  }
0x6d: {  	v10 =	vmin.f32 v9, v1;
	v1 =	vmax.f32 v9, v1;
	v12 =	vmax.f32 v4, v5  }
0x6e: {  	v13 =	vmax.f32 v8, v10;
	v4 =	vmin.f32 v4, v5;
	v5 =	vmin.f32 v8, v10  }
0x6f: {  	v14 =	vld [tilespmem:s31+$0x7060];
	v9 =	vmax.f32 v1, v4;
	v10 =	vmax.f32 v12, v11;
	v1 =	vmin.f32 v1, v4  }
0x70: {  	v4 =	vmin.f32 v12, v11;
	v15 =	vmax.f32 v10, v3;
	v11 =	vmax.f32 v13, v1  }
0x71: {  	v8 =	vmin.f32 v13, v1;
	v1 =	vmin.f32 v9, v4;
	v4 =	vmax.f32 v9, v4  }
0x72: {  	v3 =	vmin.f32 v10, v3;
	v9 =	vmax.f32 v11, v1;
	v10 =	vmin.f32 v11, v1;
	v11 =	vld [tilespmem:s31+$0x7070];
	_ =	sdelay $0x1  }
0x73: {  	v12 =	vmax.f32 v4, v3;
	v63 =	vmin.f32 v4, v3;
	v13 =	vmin.f32 v15, v14  }
0x74: {  	v3 =	vmax.f32 v9, v63;
	v4 =	vmin.f32 v12, v13  }
0x75: {  	s26 =	simm.s32 $0x200;
	v14 =	vmax.f32 v15, v14;
	v9 =	vmin.f32 v9, v63;
	v1 =	vmax.f32 v3, v4  }
.LBB2_5:
0x76: {  	s28 =	sshra.s32 s26, $0x2;
	p2 =	sne.s32 s26, $0x1BE00;
	s26 =	sadd.s32 $0x200, s26;
	v15 =	vmax.f32 v7, v0;
	v0 =	vmin.f32 v7, v0;
	v7 =	vmax.f32 v14, v11  }
0x77: {  	v12 =	vmax.f32 v12, v13;
	v16 =	vld [tilespmem:s28+$0x7000];
	v17 =	vmax.f32 v15, v2;
	v2 =	vmin.f32 v15, v2  }
0x78: {  	v11 =	vmin.f32 v14, v11;
	v0 =	vmax.f32 v6, v0;
	v13 =	vld [tilespmem:s28+$0x7010];
	v6 =	vmax.f32 v17, v5  }
0x79: {  	v15 =	vmax.f32 v12, v11;
	v11 =	vmin.f32 v12, v11;
	v14 =	vmax.f32 v6, v8  }
0x7a: {  	v5 =	vmin.f32 v17, v5;
	v18 =	vmax.f32 v1, v11;
	v12 =	vld [tilespmem:s28+$0x7020];
	v17 =	vmin.f32 v14, v10  }
0x7b: {  	v0 =	vmax.f32 v0, v2;
	v2 =	vmin.f32 v6, v8;
	v6 =	vmax.f32 v14, v10  }
0x7c: {  	v0 =	vmax.f32 v0, v5;
	v8 =	vmax.f32 v7, v16;
	v7 =	vmin.f32 v7, v16;
	v10 =	vld [tilespmem:s28+$0x7030]  }
0x7d: {  	v0 =	vmax.f32 v0, v2;
	v5 =	vmax.f32 v15, v7;
	v7 =	vmin.f32 v15, v7  }
0x7e: {  	v14 =	vmax.f32 v0, v17;
	v2 =	vmin.f32 v8, v13;
	v15 =	vmax.f32 v6, v9  }
0x7f: {  	v16 =	vmax.f32 v5, v2;
	v2 =	vmin.f32 v5, v2;
	v5 =	vmin.f32 v6, v9  }
0x80: {  	v6 =	vmax.f32 v18, v7;
	v0 =	vmin.f32 v18, v7;
	v7 =	vmax.f32 v8, v13  }
0x81: {  	v8 =	vmax.f32 v7, v12;
	v7 =	vmin.f32 v7, v12;
	v5 =	vmax.f32 v14, v5  }
0x82: {  	v3 =	vmin.f32 v3, v4;
	v9 =	vmax.f32 v6, v2;
	v2 =	vmin.f32 v6, v2;
	v6 =	vld [tilespmem:s28+$0x7040]  }
0x83: {  	v1 =	vmin.f32 v1, v11;
	v4 =	vmin.f32 v16, v7;
	v12 =	vmax.f32 v8, v10;
	v13 =	vld [tilespmem:s28+$0x7050]  }
0x84: {  	v11 =	vmax.f32 v9, v4;
	v8 =	vmin.f32 v8, v10;
	v10 =	vmin.f32 v15, v3  }
0x85: {  	v7 =	vmax.f32 v16, v7;
	v3 =	vmax.f32 v15, v3;
	v10 =	vmax.f32 v5, v10  }
0x86: {  	v5 =	vmin.f32 v9, v4;
	v4 =	vmax.f32 v7, v8;
	v8 =	vmin.f32 v7, v8;
	v14 =	vld [tilespmem:s28+$0x7060]  }
0x87: {  	v7 =	vmax.f32 v3, v1;
	v1 =	vmin.f32 v3, v1;
	v9 =	vmax.f32 v12, v6  }
0x88: {  	v3 =	vmin.f32 v12, v6;
	v6 =	vmax.f32 v10, v1;
	v15 =	vmax.f32 v9, v13  }
.Ltmp3:
0x89: {  	v1 =	vmax.f32 v11, v8;
	v8 =	vmin.f32 v11, v8;
	v10 =	vmin.f32 v4, v3;
	v11 =	vld [tilespmem:s28+$0x7070];
	(pc) =	sbr.rel @p2 .LBB2_5-.Ltmp3, $4  }
0x8a: {  	v3 =	vmax.f32 v4, v3;
	v4 =	vmin.f32 v9, v13;
	v16 =	vmax.f32 v1, v10  }
0x8b: {  	v12 =	vmax.f32 v3, v4;
	v9 =	vmin.f32 v3, v4;
	v13 =	vmin.f32 v15, v14  }
0x8c: {  	v10 =	vmin.f32 v1, v10;
	v3 =	vmax.f32 v16, v9;
	v4 =	vmin.f32 v12, v13  }
0x8d: {  	v9 =	vmin.f32 v16, v9;
	v14 =	vmax.f32 v15, v14;
	v1 =	vmax.f32 v3, v4  }
0x8e: {  	v15 =	vmax.f32 v7, v0;
	v0 =	vmin.f32 v7, v0  }
0x8f: {  	v7 =	vmax.f32 v14, v11;
	v12 =	vmax.f32 v12, v13;
	v63 =	vmin.f32 v14, v11  }
0x90: {  	v16 =	vmax.f32 v15, v2;
	v2 =	vmin.f32 v15, v2;
	v0 =	vmax.f32 v6, v0  }
0x91: {  	v6 =	vmax.f32 v16, v5;
	v5 =	vmin.f32 v16, v5;
	v0 =	vmax.f32 v0, v2  }
0x92: {  	v2 =	vmax.f32 v6, v8;
	v6 =	vmin.f32 v6, v8;
	v0 =	vmax.f32 v0, v5  }
0x93: {  	v3 =	vmin.f32 v3, v4;
	v5 =	vmin.f32 v2, v10;
	v0 =	vmax.f32 v0, v6  }
.Ltmp4:
0x94: {  	v2 =	vmax.f32 v2, v10;
	v6 =	vmin.f32 v12, v63;
	v0 =	vmax.f32 v0, v5;
	(pc) =	sbr.rel @p1 .LBB2_8-.Ltmp4, $4  }
0x95: {  	v5 =	vmin.f32 v2, v9;
	v2 =	vmax.f32 v2, v9;
	v4 =	vmin.f32 v1, v6  }
0x96: {  	v0 =	vmax.f32 v0, v5;
	v5 =	vmin.f32 v2, v3;
	v8 =	vmax.f32 v2, v3  }
0x97: {  	v3 =	vmax.f32 v12, v63;
	v0 =	vmax.f32 v0, v5;
	v5 =	vmin.f32 v8, v4  }
0x98: {  	v2 =	vmax.f32 v1, v6;
	v1 =	vmax.f32 v8, v4;
	v0 =	vmax.f32 v0, v5  }
0x99: {  	s26 =	smul.u32 $0xE00, s25;
	_ =	sdelay $0x1  }
0x9a: {  	s26 =	sadd.s32 s26, s8  }
0x9b: {  	s26 =	smul.u32 $0x60, s26  }
.Ltmp5:
0x9c: {  	_ = 	snop;
	(pc) =	sbr.rel .LBB2_2-.Ltmp5, $4  }
0x9d: {  	s26 =	sor.u32 s4, s26  }
0x9e: {  	s26 =	sshrl.u32 s26, $0x3  }
0x9f: {  	s25 =	sadd.s32 $0x1, s25;
	s26 =	sadd.s32 s3, s26  }
0xa0: {  	[tilespmem:s19], [sflag:$0x2] =	stream.strided.gather [hbm4b:s26+s17], $0x7000, s18, s17, $0x38;
	[tilespmem:$0xE010] =	vst v63  }
.LBB2_8:
0xa1: {  	v3 =	vadd.f32 v3, v7;
	_ =	sdelay $0x1  }
0xa2: {  	v2 =	vadd.f32 v2, v3;
	_ =	sdelay $0x1  }
0xa3: {  	v1 =	vadd.f32 v1, v2;
	_ =	sdelay $0x1  }
0xa4: {  	v0 =	vadd.f32 v0, v1;
	_ =	sdelay $0x1  }
0xa5: {  	v0 =	vmul.f32 $2.000000030e-01, v0;
	_ =	sdelay $0x1  }
.Ltmp6:
0xa6: {  	[tilespmem:$0xE000] =	vst v0;
	(pc) =	sbr.rel @p0 .LBB2_17-.Ltmp6, $4  }
0xa7: {  	[hbm4b:s10+s2] =	stream.linear.scatter [tilespmem:s22], [sflag:$0x3], $0x10, $0x38;
	[tilespmem:$0xE010] =	vst v63  }
0xa8: {  	_ =	swait.ge [sflag:s23], $0x10  }
0xa9: {  	[sflag:s23] =	ssyncset.done $0x0  }
0xaa: {  	[sflag:s23] =	ssyncadd.s32 $0xFFFFFFF0  }
0xab: {  	s25 =	simm.s32 $0x0  }
0xac: {  	[tilespmem:s25], [sflag:$0x1] =	stream.strided.gather [hbm4b:s11+s17], $0x7000, s18, s17, $0x38;
	[tilespmem:$0xE010] =	vst v63  }
0xad: {  	v0 =	vimm.f32 $-Inf;
	v1 =	vimm.f32 $-Inf  }
0xae: {  	v2 =	vimm.f32 $-Inf;
	v3 =	vimm.f32 $-Inf;
	v7 =	vimm.f32 $-Inf;
	[tilespmem:s19], [sflag:$0x2] =	stream.strided.gather [hbm4b:s12+s17], $0x7000, s18, s17, $0x38;
	[tilespmem:$0xE010] =	vst v63  }
.LBB2_10:
0xaf: {  	_ =	swait.ge [sflag:s20], $0x7000  }
0xb0: {  	[sflag:s20] =	ssyncset.done $0x0  }
0xb1: {  	s28 =	simm.s32 $0x0;
	[sflag:s20] =	ssyncadd.s32 $0xFFFF9000  }
0xb2: {  	v4 =	vld [tilespmem:s28+$0x0]  }
0xb3: {  	v6 =	vld [tilespmem:s28+$0x10];
	_ =	sdelay $0x2  }
0xb4: {  	v8 =	vld [tilespmem:s28+$0x20]  }
0xb5: {  	v9 =	vmax.f32 v7, v4;
	v4 =	vmin.f32 v7, v4  }
0xb6: {  	v7 =	vld [tilespmem:s28+$0x30];
	v5 =	vmax.f32 v3, v4;
	v10 =	vmin.f32 v9, v6  }
0xb7: {  	v3 =	vmin.f32 v3, v4;
	v4 =	vmax.f32 v5, v10;
	v10 =	vmin.f32 v5, v10  }
0xb8: {  	v11 =	vld [tilespmem:s28+$0x40];
	v12 =	vmax.f32 v2, v3;
	v5 =	vmin.f32 v2, v3;
	v2 =	vmax.f32 v9, v6  }
0xb9: {  	v9 =	vmax.f32 v2, v8;
	v2 =	vmin.f32 v2, v8  }
0xba: {  	v8 =	vmax.f32 v12, v10;
	v6 =	vmin.f32 v12, v10;
	v10 =	vmin.f32 v4, v2  }
0xbb: {  	v3 =	vld [tilespmem:s28+$0x50];
	v2 =	vmax.f32 v4, v2;
	v12 =	vmax.f32 v9, v7;
	v9 =	vmin.f32 v9, v7  }
0xbc: {  	v14 =	vld [tilespmem:s28+$0x60];
	v13 =	vmax.f32 v8, v10;
	v7 =	vmin.f32 v8, v10;
	v4 =	vmax.f32 v2, v9  }
0xbd: {  	v8 =	vmax.f32 v12, v11;
	v2 =	vmin.f32 v2, v9;
	v10 =	vmin.f32 v12, v11  }
0xbe: {  	v11 =	vmax.f32 v13, v2;
	v9 =	vmin.f32 v13, v2;
	v2 =	vmin.f32 v4, v10  }
0xbf: {  	v4 =	vmax.f32 v4, v10;
	v16 =	vmax.f32 v11, v2;
	v10 =	vmin.f32 v11, v2;
	v11 =	vld [tilespmem:s28+$0x70]  }
0xc0: {  	v15 =	vmax.f32 v8, v3;
	v3 =	vmin.f32 v8, v3  }
0xc1: {  	v12 =	vmax.f32 v4, v3;
	v3 =	vmin.f32 v4, v3;
	v13 =	vmin.f32 v15, v14  }
0xc2: {  	v2 =	vmax.f32 v16, v3;
	v4 =	vmin.f32 v12, v13  }
0xc3: {  	s26 =	simm.s32 $0x200;
	v14 =	vmax.f32 v15, v14;
	v8 =	vmin.f32 v16, v3;
	v3 =	vmax.f32 v2, v4  }
.LBB2_11:
0xc4: {  	s28 =	sshra.s32 s26, $0x2;
	p1 =	sne.s32 s26, $0x1BE00;
	s26 =	sadd.s32 $0x200, s26;
	v15 =	vmax.f32 v1, v5;
	v1 =	vmin.f32 v1, v5;
	v5 =	vmax.f32 v14, v11  }
0xc5: {  	v12 =	vmax.f32 v12, v13;
	v16 =	vld [tilespmem:s28+$0x0];
	v17 =	vmax.f32 v15, v6;
	v6 =	vmin.f32 v15, v6  }
0xc6: {  	v11 =	vmin.f32 v14, v11;
	v0 =	vmax.f32 v0, v1;
	v13 =	vld [tilespmem:s28+$0x10];
	v1 =	vmax.f32 v17, v7  }
0xc7: {  	v15 =	vmax.f32 v12, v11;
	v11 =	vmin.f32 v12, v11;
	v14 =	vmax.f32 v1, v9  }
0xc8: {  	v7 =	vmin.f32 v17, v7;
	v18 =	vmax.f32 v3, v11;
	v12 =	vld [tilespmem:s28+$0x20];
	v17 =	vmin.f32 v14, v10  }
0xc9: {  	v0 =	vmax.f32 v0, v6;
	v1 =	vmin.f32 v1, v9;
	v6 =	vmax.f32 v14, v10  }
0xca: {  	v0 =	vmax.f32 v0, v7;
	v9 =	vmax.f32 v5, v16;
	v5 =	vmin.f32 v5, v16;
	v10 =	vld [tilespmem:s28+$0x30]  }
0xcb: {  	v0 =	vmax.f32 v0, v1;
	v7 =	vmax.f32 v15, v5;
	v5 =	vmin.f32 v15, v5  }
0xcc: {  	v0 =	vmax.f32 v0, v17;
	v14 =	vmax.f32 v6, v8;
	v1 =	vmin.f32 v9, v13  }
0xcd: {  	v6 =	vmin.f32 v6, v8;
	v15 =	vmax.f32 v7, v1;
	v1 =	vmin.f32 v7, v1  }
0xce: {  	v8 =	vmax.f32 v9, v13;
	v7 =	vmax.f32 v18, v5;
	v5 =	vmin.f32 v18, v5  }
0xcf: {  	v0 =	vmax.f32 v0, v6;
	v9 =	vmax.f32 v8, v12;
	v8 =	vmin.f32 v8, v12  }
0xd0: {  	v12 =	vmax.f32 v7, v1;
	v6 =	vmin.f32 v7, v1;
	v1 =	vmin.f32 v2, v4;
	v13 =	vld [tilespmem:s28+$0x40]  }
0xd1: {  	v3 =	vmin.f32 v3, v11;
	v2 =	vmin.f32 v15, v8;
	v4 =	vmax.f32 v9, v10;
	v16 =	vld [tilespmem:s28+$0x50]  }
0xd2: {  	v7 =	vmin.f32 v14, v1;
	v11 =	vmax.f32 v12, v2;
	v9 =	vmin.f32 v9, v10  }
0xd3: {  	v8 =	vmax.f32 v15, v8;
	v10 =	vmax.f32 v14, v1;
	v0 =	vmax.f32 v0, v7  }
0xd4: {  	v7 =	vmin.f32 v12, v2;
	v2 =	vmax.f32 v8, v9;
	v8 =	vmin.f32 v8, v9;
	v14 =	vld [tilespmem:s28+$0x60]  }
0xd5: {  	v1 =	vmax.f32 v10, v3;
	v3 =	vmin.f32 v10, v3;
	v12 =	vmax.f32 v4, v13  }
0xd6: {  	v0 =	vmax.f32 v0, v3;
	v4 =	vmin.f32 v4, v13;
	v15 =	vmax.f32 v12, v16  }
.Ltmp7:
0xd7: {  	v3 =	vmax.f32 v11, v8;
	v9 =	vmin.f32 v11, v8;
	v8 =	vmin.f32 v2, v4;
	v11 =	vld [tilespmem:s28+$0x70];
	(pc) =	sbr.rel @p1 .LBB2_11-.Ltmp7, $4  }
0xd8: {  	v2 =	vmax.f32 v2, v4;
	v4 =	vmin.f32 v12, v16;
	v17 =	vmax.f32 v3, v8  }
0xd9: {  	v12 =	vmax.f32 v2, v4;
	v16 =	vmin.f32 v2, v4;
	v13 =	vmin.f32 v15, v14  }
0xda: {  	v10 =	vmin.f32 v3, v8;
	v2 =	vmax.f32 v17, v16;
	v4 =	vmin.f32 v12, v13  }
0xdb: {  	v8 =	vmin.f32 v17, v16;
	v14 =	vmax.f32 v15, v14;
	v3 =	vmax.f32 v2, v4  }
0xdc: {  	p1 =	seq.s32 s25, $0xD  }
0xdd: {  	s26 =	smul.u32 @!p1 $0xE00, s25;
	_ =	sdelay $0x1  }
0xde: {  	s26 =	sadd.s32 @!p1 s26, s13  }
0xdf: {  	s26 =	smul.u32 @!p1 $0x60, s26;
	_ =	sdelay $0x1  }
0xe0: {  	s26 =	sor.u32 @!p1 s9, s26  }
0xe1: {  	s28 =	simm.s32 @!p1 $0x10;
	s26 =	sshrl.u32 @!p1 s26, $0x3  }
0xe2: {  	v15 =	vmax.f32 v1, v5;
	v1 =	vmin.f32 v1, v5;
	v5 =	vmax.f32 v14, v11;
	s29 =	simm.s32 @!p1 $0x60;
	s30 =	simm.s32 @!p1 $0x0;
	s26 =	sadd.s32 @!p1 s3, s26  }
0xe3: {  	v12 =	vmax.f32 v12, v13;
	v11 =	vmin.f32 v14, v11;
	v2 =	vmin.f32 v2, v4;
	[tilespmem:s30], [sflag:$0x1] =	stream.strided.gather @!p1 [hbm4b:s26+s28], $0x7000, s29, s28, $0x38;
	[tilespmem:$0xE010] =	vst v63  }
0xe4: {  	v16 =	vmax.f32 v15, v6;
	v6 =	vmin.f32 v15, v6;
	v0 =	vmax.f32 v0, v1;
	_ =	swait.ge [sflag:s21], $0x7000  }
0xe5: {  	v1 =	vmax.f32 v16, v7;
	v7 =	vmin.f32 v16, v7;
	v0 =	vmax.f32 v0, v6;
	[sflag:s21] =	ssyncset.done $0x0  }
0xe6: {  	s31 =	simm.s32 $0x0;
	v13 =	vmax.f32 v1, v9;
	v1 =	vmin.f32 v1, v9;
	v0 =	vmax.f32 v0, v7;
	[sflag:s21] =	ssyncadd.s32 $0xFFFF9000  }
0xe7: {  	v14 =	vmax.f32 v12, v11;
	v9 =	vmin.f32 v12, v11;
	v0 =	vmax.f32 v0, v1;
	v1 =	vld [tilespmem:s31+$0x7000]  }
0xe8: {  	v6 =	vmin.f32 v13, v10;
	v7 =	vmax.f32 v13, v10;
	v4 =	vmin.f32 v3, v9;
	v10 =	vld [tilespmem:s31+$0x7010]  }
0xe9: {  	v0 =	vmax.f32 v0, v6;
	v6 =	vmin.f32 v7, v8;
	v7 =	vmax.f32 v7, v8  }
0xea: {  	v0 =	vmax.f32 v0, v6;
	v6 =	vmin.f32 v7, v2;
	v2 =	vmax.f32 v7, v2  }
0xeb: {  	v3 =	vmax.f32 v3, v9;
	v0 =	vmax.f32 v0, v6;
	v7 =	vmax.f32 v2, v4;
	v8 =	vld [tilespmem:s31+$0x7020]  }
0xec: {  	v2 =	vmin.f32 v2, v4;
	v4 =	vmax.f32 v5, v1;
	v1 =	vmin.f32 v5, v1  }
0xed: {  	v6 =	vmax.f32 v0, v2;
	v5 =	vld [tilespmem:s31+$0x7030];
	v0 =	vmax.f32 v14, v1;
	v2 =	vmin.f32 v4, v10  }
0xee: {  	v1 =	vmin.f32 v14, v1;
	v9 =	vmax.f32 v0, v2;
	v2 =	vmin.f32 v0, v2  }
0xef: {  	v11 =	vld [tilespmem:s31+$0x7040];
	v12 =	vmax.f32 v3, v1;
	v0 =	vmin.f32 v3, v1;
	v1 =	vmax.f32 v4, v10  }
0xf0: {  	v3 =	vld [tilespmem:s31+$0x7050];
	v4 =	vmax.f32 v1, v8  }
0xf1: {  	v1 =	vmin.f32 v1, v8;
	v8 =	vmax.f32 v12, v2;
	v2 =	vmin.f32 v12, v2  }
0xf2: {  	v10 =	vmin.f32 v9, v1;
	v1 =	vmax.f32 v9, v1;
	v12 =	vmax.f32 v4, v5  }
0xf3: {  	v13 =	vmax.f32 v8, v10;
	v4 =	vmin.f32 v4, v5;
	v5 =	vmin.f32 v8, v10  }
0xf4: {  	v14 =	vld [tilespmem:s31+$0x7060];
	v9 =	vmax.f32 v1, v4;
	v10 =	vmax.f32 v12, v11;
	v1 =	vmin.f32 v1, v4  }
0xf5: {  	v4 =	vmin.f32 v12, v11;
	v15 =	vmax.f32 v10, v3;
	v11 =	vmax.f32 v13, v1  }
0xf6: {  	v8 =	vmin.f32 v13, v1;
	v1 =	vmin.f32 v9, v4;
	v4 =	vmax.f32 v9, v4  }
0xf7: {  	v3 =	vmin.f32 v10, v3;
	v9 =	vmax.f32 v11, v1;
	v10 =	vmin.f32 v11, v1;
	v11 =	vld [tilespmem:s31+$0x7070];
	_ =	sdelay $0x1  }
0xf8: {  	v12 =	vmax.f32 v4, v3;
	v63 =	vmin.f32 v4, v3;
	v13 =	vmin.f32 v15, v14  }
0xf9: {  	v3 =	vmax.f32 v9, v63;
	v4 =	vmin.f32 v12, v13  }
0xfa: {  	s26 =	simm.s32 $0x200;
	v14 =	vmax.f32 v15, v14;
	v9 =	vmin.f32 v9, v63;
	v1 =	vmax.f32 v3, v4  }
.LBB2_13:
0xfb: {  	s28 =	sshra.s32 s26, $0x2;
	p2 =	sne.s32 s26, $0x1BE00;
	s26 =	sadd.s32 $0x200, s26;
	v15 =	vmax.f32 v7, v0;
	v0 =	vmin.f32 v7, v0;
	v7 =	vmax.f32 v14, v11  }
0xfc: {  	v12 =	vmax.f32 v12, v13;
	v16 =	vld [tilespmem:s28+$0x7000];
	v17 =	vmax.f32 v15, v2;
	v2 =	vmin.f32 v15, v2  }
0xfd: {  	v11 =	vmin.f32 v14, v11;
	v0 =	vmax.f32 v6, v0;
	v13 =	vld [tilespmem:s28+$0x7010];
	v6 =	vmax.f32 v17, v5  }
0xfe: {  	v15 =	vmax.f32 v12, v11;
	v11 =	vmin.f32 v12, v11;
	v14 =	vmax.f32 v6, v8  }
0xff: {  	v5 =	vmin.f32 v17, v5;
	v18 =	vmax.f32 v1, v11;
	v12 =	vld [tilespmem:s28+$0x7020];
	v17 =	vmin.f32 v14, v10  }
0x100: {  	v0 =	vmax.f32 v0, v2;
	v2 =	vmin.f32 v6, v8;
	v6 =	vmax.f32 v14, v10  }
0x101: {  	v0 =	vmax.f32 v0, v5;
	v8 =	vmax.f32 v7, v16;
	v7 =	vmin.f32 v7, v16;
	v10 =	vld [tilespmem:s28+$0x7030]  }
0x102: {  	v0 =	vmax.f32 v0, v2;
	v5 =	vmax.f32 v15, v7;
	v7 =	vmin.f32 v15, v7  }
0x103: {  	v14 =	vmax.f32 v0, v17;
	v2 =	vmin.f32 v8, v13;
	v15 =	vmax.f32 v6, v9  }
0x104: {  	v16 =	vmax.f32 v5, v2;
	v2 =	vmin.f32 v5, v2;
	v5 =	vmin.f32 v6, v9  }
0x105: {  	v6 =	vmax.f32 v18, v7;
	v0 =	vmin.f32 v18, v7;
	v7 =	vmax.f32 v8, v13  }
0x106: {  	v8 =	vmax.f32 v7, v12;
	v7 =	vmin.f32 v7, v12;
	v5 =	vmax.f32 v14, v5  }
0x107: {  	v3 =	vmin.f32 v3, v4;
	v9 =	vmax.f32 v6, v2;
	v2 =	vmin.f32 v6, v2;
	v6 =	vld [tilespmem:s28+$0x7040]  }
0x108: {  	v1 =	vmin.f32 v1, v11;
	v4 =	vmin.f32 v16, v7;
	v12 =	vmax.f32 v8, v10;
	v13 =	vld [tilespmem:s28+$0x7050]  }
0x109: {  	v11 =	vmax.f32 v9, v4;
	v8 =	vmin.f32 v8, v10;
	v10 =	vmin.f32 v15, v3  }
0x10a: {  	v7 =	vmax.f32 v16, v7;
	v3 =	vmax.f32 v15, v3;
	v10 =	vmax.f32 v5, v10  }
0x10b: {  	v5 =	vmin.f32 v9, v4;
	v4 =	vmax.f32 v7, v8;
	v8 =	vmin.f32 v7, v8;
	v14 =	vld [tilespmem:s28+$0x7060]  }
0x10c: {  	v7 =	vmax.f32 v3, v1;
	v1 =	vmin.f32 v3, v1;
	v9 =	vmax.f32 v12, v6  }
0x10d: {  	v3 =	vmin.f32 v12, v6;
	v6 =	vmax.f32 v10, v1;
	v15 =	vmax.f32 v9, v13  }
.Ltmp8:
0x10e: {  	v1 =	vmax.f32 v11, v8;
	v8 =	vmin.f32 v11, v8;
	v10 =	vmin.f32 v4, v3;
	v11 =	vld [tilespmem:s28+$0x7070];
	(pc) =	sbr.rel @p2 .LBB2_13-.Ltmp8, $4  }
0x10f: {  	v3 =	vmax.f32 v4, v3;
	v4 =	vmin.f32 v9, v13;
	v16 =	vmax.f32 v1, v10  }
0x110: {  	v12 =	vmax.f32 v3, v4;
	v9 =	vmin.f32 v3, v4;
	v13 =	vmin.f32 v15, v14  }
0x111: {  	v10 =	vmin.f32 v1, v10;
	v3 =	vmax.f32 v16, v9;
	v4 =	vmin.f32 v12, v13  }
0x112: {  	v9 =	vmin.f32 v16, v9;
	v14 =	vmax.f32 v15, v14;
	v1 =	vmax.f32 v3, v4  }
0x113: {  	v15 =	vmax.f32 v7, v0;
	v0 =	vmin.f32 v7, v0  }
0x114: {  	v7 =	vmax.f32 v14, v11;
	v12 =	vmax.f32 v12, v13;
	v63 =	vmin.f32 v14, v11  }
0x115: {  	v16 =	vmax.f32 v15, v2;
	v2 =	vmin.f32 v15, v2;
	v0 =	vmax.f32 v6, v0  }
0x116: {  	v6 =	vmax.f32 v16, v5;
	v5 =	vmin.f32 v16, v5;
	v0 =	vmax.f32 v0, v2  }
0x117: {  	v2 =	vmax.f32 v6, v8;
	v6 =	vmin.f32 v6, v8;
	v0 =	vmax.f32 v0, v5  }
0x118: {  	v3 =	vmin.f32 v3, v4;
	v5 =	vmin.f32 v2, v10;
	v0 =	vmax.f32 v0, v6  }
.Ltmp9:
0x119: {  	v2 =	vmax.f32 v2, v10;
	v6 =	vmin.f32 v12, v63;
	v0 =	vmax.f32 v0, v5;
	(pc) =	sbr.rel @p1 .LBB2_16-.Ltmp9, $4  }
0x11a: {  	v5 =	vmin.f32 v2, v9;
	v2 =	vmax.f32 v2, v9;
	v4 =	vmin.f32 v1, v6  }
0x11b: {  	v0 =	vmax.f32 v0, v5;
	v5 =	vmin.f32 v2, v3;
	v8 =	vmax.f32 v2, v3  }
0x11c: {  	v3 =	vmax.f32 v12, v63;
	v0 =	vmax.f32 v0, v5;
	v5 =	vmin.f32 v8, v4  }
0x11d: {  	v2 =	vmax.f32 v1, v6;
	v1 =	vmax.f32 v8, v4;
	v0 =	vmax.f32 v0, v5  }
0x11e: {  	s26 =	smul.u32 $0xE00, s25;
	_ =	sdelay $0x1  }
0x11f: {  	s26 =	sadd.s32 s26, s14  }
0x120: {  	s26 =	smul.u32 $0x60, s26  }
.Ltmp10:
0x121: {  	_ = 	snop;
	(pc) =	sbr.rel .LBB2_10-.Ltmp10, $4  }
0x122: {  	s26 =	sor.u32 s9, s26  }
0x123: {  	s26 =	sshrl.u32 s26, $0x3  }
0x124: {  	s25 =	sadd.s32 $0x1, s25;
	s26 =	sadd.s32 s3, s26  }
0x125: {  	[tilespmem:s19], [sflag:$0x2] =	stream.strided.gather [hbm4b:s26+s17], $0x7000, s18, s17, $0x38;
	[tilespmem:$0xE010] =	vst v63  }
.LBB2_18:
0x126: {  	_ =	sfence.sel $0x180000  }
0x127: {  	[bflag:$0x0] =	sbarrier.arrive $0xFFFF  }
0x128: {  	p0 =	sne.s32 s0, $0x0;
	_ =	strace $0x90000047  }
0x129: {  	s0 =	sadd.s32 @!p0 $0x100000, s1;
	[bflag:$0x2] =	sbarrier.arrive $0xFFFF  }
0x12a: {  	[sflag:s0] =	ssyncadd.tile.s32 @!p0 $0x1;
	_ =	shalt  }
.Lfunc_end2:
_tile_overlayer_lowered:
.L_overlay_start_2:
0x12b: {  	(tag) =	ssettag $0x2  }
0x12c: {  	s0 =	rddreg [dreg:$0x0];
	s2 =	stileid.u32  }
0x12d: {  	s1 =	rddreg [dreg:$0x1];
	p0 =	sne.s32 s2, $0x0  }
0x12e: {  	s3 =	rddreg [dreg:$0x2];
	[bflag:$0x3] =	sbarrier.arrive $0xFFFF;
	s2 =	simm.s32 @!p0 $0x1C03  }
0x12f: {  	[timem:s3], [sflag:s2] =	dma.local @!p0 [hbm:s0], s1  }
0x130: {  	s0 =	simm.s32 @!p0 $0x3  }
0x131: {  	_ =	swait.ge @!p0 [sflag:s0], s1  }
0x132: {  	s1 =	ssub.s32 @!p0 $0x0, s1;
	[sflag:s0] =	ssyncset.done @!p0 $0x0  }
0x133: {  	[sflag:s0] =	ssyncadd.s32 @!p0 s1  }
0x134: {  	[bflag:$0x3] =	sbarrier.arrive $0xFFFF  }
0x135: {  	_ =	shalt  }

</sc_bundles>
